<compile_context>
chip_gen: v7x
topology: tpu7x:2x2x1
jax: 0.10.2.dev20260603
libtpu: 0.0.44.dev20260713+nightly
codegen_flags: <defaults>
</compile_context>

<pallas_src>
import functools

import jax
import jax.numpy as jnp
from jax import lax
from jax.experimental import pallas as pl
from jax.experimental.pallas import tpu as pltpu
from jax.experimental.pallas import tpu_sc as plsc

N_FIELDS = 26
VOCAB = 100000
DIM = 32
BATCH = 16384

_info = plsc.get_sparse_core_info()
_NC = _info.num_cores
_NS = _info.num_subcores
_NW = _NC * _NS

_WB = 4096
_L = 16
_K = 16

_mesh = plsc.VectorSubcoreMesh(core_axis_name="c", subcore_axis_name="s")


@functools.partial(
    pl.kernel,
    mesh=_mesh,
    out_type=jax.ShapeDtypeStruct((N_FIELDS, DIM, BATCH), jnp.float32),
    scratch_types=[
        pltpu.VMEM((BATCH,), jnp.int32),
        pltpu.VMEM((VOCAB,), jnp.float32),
        pltpu.VMEM((_WB,), jnp.float32),
        pltpu.VMEM((_WB,), jnp.float32),
        pltpu.SemaphoreType.DMA,
        pltpu.SemaphoreType.DMA,
        pltpu.SemaphoreType.DMA,
    ],
    compiler_params=pltpu.CompilerParams(
        use_tc_tiling_on_sc=True, needs_layout_passes=False
    ),
)
def _sc_gather(vflat_hbm, tabt_hbm, out_hbm, idx_v, row_v, g0_v, g1_v,
               sem_i, sem_r, sem_w):
    d = lax.axis_index("s") * _NC + lax.axis_index("c")

    def field_body(j, _):
        f = lax.rem(d + j, N_FIELDS)
        cp_i = pltpu.async_copy(
            vflat_hbm.at[pl.ds(f * BATCH, BATCH)], idx_v, sem_i
        )
        cp_r = pltpu.async_copy(tabt_hbm.at[f, d], row_v, sem_r)
        cp_i.wait()
        cp_r.wait()

        gbufs = (g0_v, g1_v)
        wb_cps = []
        for c in range(BATCH // _WB):
            g_v = gbufs[c % 2]
            if c >= 2:
                wb_cps[c - 2].wait()

            def vec_body(i, _, c=c, g_v=g_v):
                base = i * (_K * _L)
                ivs = [idx_v[pl.ds(c * _WB + base + k * _L, _L)] for k in range(_K)]
                gs = [plsc.load_gather(row_v, [iv]) for iv in ivs]
                for k in range(_K):
                    g_v[pl.ds(base + k * _L, _L)] = gs[k]
                return ()

            lax.fori_loop(0, _WB // (_K * _L), vec_body, (), unroll=2)
            wb_cps.append(pltpu.async_copy(
                g_v, out_hbm.at[f, d, pl.ds(c * _WB, _WB)], sem_w))
        wb_cps[-2].wait()
        wb_cps[-1].wait()
        return ()

    lax.fori_loop(0, N_FIELDS, field_body, ())


def kernel(value, tables):
    vflat = value.astype(jnp.int32).T.reshape(N_FIELDS * BATCH)
    tabt = jnp.transpose(tables, (0, 2, 1))
    out = _sc_gather(vflat, tabt)
    return jnp.transpose(out, (2, 0, 1))

# --- scband reference (transcript-rebuilt; emitter-appended) ---
"""Pipeline reference for scband-embedder-10591389352295 (READ-ONLY COPY).

The authoritative reference and input builder live on the scoring server;
editing this copy changes nothing except your own understanding.
"""

import jax, jax.numpy as jnp
import numpy as np

N_FIELDS = 26
VOCAB = 100000
DIM = 32
BATCH = 16384


def setup_inputs(seed: int = 0) -> dict:
    key = jax.random.key(seed)
    k1, k2 = jax.random.split(key)
    # value[:, i] holds the categorical id for column i (all columns categorical)
    value = jax.random.randint(k1, (BATCH, N_FIELDS), 0, VOCAB)
    # one embedding table per column (CatEmbedder(dim) per CategoricalColumnDef)
    tables = jax.random.normal(k2, (N_FIELDS, VOCAB, DIM), dtype=jnp.float32) * 0.02
    return {"value": value, "tables": tables}


def reference(value, tables):
    # Embedder.forward: for each embedded column i, embed value[:, i] with that
    # column's CatEmbedder (an embedding lookup), then stack on dim=1.
    # Output: [batch, n_cols, dim]
    embs = [jnp.take(tables[i], value[:, i], axis=0) for i in range(N_FIELDS)]
    return jnp.stack(embs, axis=1)

if __name__ == "__main__":
    import jax
    _d = setup_inputs()
    print(jax.jit(kernel)(*tuple(_d.values())))

</pallas_src>

<mosaic_0001>
#map = affine_map<(d0, d1) -> (0)>
#map1 = affine_map<(d0, d1) -> (0, 0, 0)>
module attributes {stable_mosaic.version = 14 : i64} {
  func.func @_sc_gather(%arg0: i32, %arg1: i32, %arg2: memref<425984xi32, #tpu.memory_space<hbm>>, %arg3: memref<26x32x100000xf32, #tpu.memory_space<hbm>>, %arg4: memref<26x32x16384xf32, #tpu.memory_space<hbm>>, %arg5: memref<16384xi32, #tpu.memory_space<vmem>>, %arg6: memref<100000xf32, #tpu.memory_space<vmem>>, %arg7: memref<4096xf32, #tpu.memory_space<vmem>>, %arg8: memref<4096xf32, #tpu.memory_space<vmem>>, %arg9: memref<!tpu.dma_semaphore, #tpu.memory_space<semaphore_mem>>, %arg10: memref<!tpu.dma_semaphore, #tpu.memory_space<semaphore_mem>>, %arg11: memref<!tpu.dma_semaphore, #tpu.memory_space<semaphore_mem>>) attributes {dimension_semantics = [#tpu.dimension_semantics<core_parallel>, #tpu.dimension_semantics<subcore_parallel>], iteration_bounds = array<i64: 2, 16>, scalar_prefetch = 0 : i64, scratch_operands = 7 : i64, tpu.core_type = #tpu.core_type<sc_vector_subcore>, window_params = [{transform_indices = #map}, {transform_indices = #map1}, {transform_indices = #map1}]} {
    %mul3A = arith.constant 2 : i32
    %mul3A_0 = arith.muli %arg1, %mul3A : i32
    %add3A = arith.addi %mul3A_0, %arg0 : i32
    %scan3A = arith.constant 0 : i32
    %scan3A_1 = arith.constant 26 : i32
    %scan3A_2 = arith.addi %scan3A, %scan3A_1 : i32
    %scan3A_3 = arith.constant 1 : i32
    scf.for %scan3A_5 = %scan3A to %scan3A_2 step %scan3A_3  : i32 {
      %add3A_6 = arith.addi %add3A, %scan3A_5 : i32
      %rem3A = arith.constant 26 : i32
      %rem3A_7 = arith.remsi %add3A_6, %rem3A : i32
      %mul3A_8 = arith.constant 16384 : i32
      %mul3A_9 = arith.muli %rem3A_7, %mul3A_8 : i32
      %dma_start3A = tpu.memref_slice %arg2[%mul3A_9] : memref<425984xi32, #tpu.memory_space<hbm>> -> memref<16384xi32, #tpu.memory_space<hbm>>
      %dma_start3A_10 = tpu.memref_slice %arg2[%mul3A_9] : memref<425984xi32, #tpu.memory_space<hbm>> -> memref<16384xi32, #tpu.memory_space<hbm>>
      tpu.enqueue_dma source(%dma_start3A_10 : memref<16384xi32, #tpu.memory_space<hbm>>) target(%arg5 : memref<16384xi32, #tpu.memory_space<vmem>>) target_semaphore(%arg9 : memref<!tpu.dma_semaphore, #tpu.memory_space<semaphore_mem>>)
      %dma_start3A_11 = arith.constant 0 : i32
      %dma_start3A_12 = tpu.memref_slice %arg3[%rem3A_7, %add3A, %dma_start3A_11] : memref<26x32x100000xf32, #tpu.memory_space<hbm>> -> memref<1x1x100000xf32, #tpu.memory_space<hbm>>
      %dma_start3A_13 = tpu.memref_squeeze %dma_start3A_12 : memref<1x1x100000xf32, #tpu.memory_space<hbm>> -> memref<100000xf32, #tpu.memory_space<hbm>>
      %dma_start3A_14 = arith.constant 0 : i32
      %dma_start3A_15 = tpu.memref_slice %arg3[%rem3A_7, %add3A, %dma_start3A_14] : memref<26x32x100000xf32, #tpu.memory_space<hbm>> -> memref<1x1x100000xf32, #tpu.memory_space<hbm>>
      %dma_start3A_16 = tpu.memref_squeeze %dma_start3A_15 : memref<1x1x100000xf32, #tpu.memory_space<hbm>> -> memref<100000xf32, #tpu.memory_space<hbm>>
      tpu.enqueue_dma source(%dma_start3A_16 : memref<100000xf32, #tpu.memory_space<hbm>>) target(%arg6 : memref<100000xf32, #tpu.memory_space<vmem>>) target_semaphore(%arg10 : memref<!tpu.dma_semaphore, #tpu.memory_space<semaphore_mem>>)
      %dma_wait3A = tpu.memref_slice %arg2[%mul3A_9] : memref<425984xi32, #tpu.memory_space<hbm>> -> memref<16384xi32, #tpu.memory_space<hbm>>
      %dma_wait3A_17 = tpu.memref_slice %arg2[%mul3A_9] : memref<425984xi32, #tpu.memory_space<hbm>> -> memref<16384xi32, #tpu.memory_space<hbm>>
      tpu.wait_dma2 semaphore(%arg9 : memref<!tpu.dma_semaphore, #tpu.memory_space<semaphore_mem>>) src(%dma_wait3A_17 : memref<16384xi32, #tpu.memory_space<hbm>>) dst(%arg5 : memref<16384xi32, #tpu.memory_space<vmem>>)
      %dma_wait3A_18 = arith.constant 0 : i32
      %dma_wait3A_19 = tpu.memref_slice %arg3[%rem3A_7, %add3A, %dma_wait3A_18] : memref<26x32x100000xf32, #tpu.memory_space<hbm>> -> memref<1x1x100000xf32, #tpu.memory_space<hbm>>
      %dma_wait3A_20 = tpu.memref_squeeze %dma_wait3A_19 : memref<1x1x100000xf32, #tpu.memory_space<hbm>> -> memref<100000xf32, #tpu.memory_space<hbm>>
      %dma_wait3A_21 = arith.constant 0 : i32
      %dma_wait3A_22 = tpu.memref_slice %arg3[%rem3A_7, %add3A, %dma_wait3A_21] : memref<26x32x100000xf32, #tpu.memory_space<hbm>> -> memref<1x1x100000xf32, #tpu.memory_space<hbm>>
      %dma_wait3A_23 = tpu.memref_squeeze %dma_wait3A_22 : memref<1x1x100000xf32, #tpu.memory_space<hbm>> -> memref<100000xf32, #tpu.memory_space<hbm>>
      tpu.wait_dma2 semaphore(%arg10 : memref<!tpu.dma_semaphore, #tpu.memory_space<semaphore_mem>>) src(%dma_wait3A_23 : memref<100000xf32, #tpu.memory_space<hbm>>) dst(%arg6 : memref<100000xf32, #tpu.memory_space<vmem>>)
      %scan3A_24 = arith.constant 0 : i32
      %scan3A_25 = arith.constant 16 : i32
      %scan3A_26 = arith.addi %scan3A_24, %scan3A_25 : i32
      %scan3A_27 = arith.constant 2 : i32
      scf.for %scan3A_92 = %scan3A_24 to %scan3A_26 step %scan3A_27  : i32 {
        %mul3A_93 = arith.constant 256 : i32
        %mul3A_94 = arith.muli %scan3A_92, %mul3A_93 : i32
        %add3A_95 = arith.constant 0 : i32
        %add3A_96 = arith.addi %add3A_95, %mul3A_94 : i32
        %add3A_97 = arith.constant 0 : i32
        %add3A_98 = arith.addi %add3A_96, %add3A_97 : i32
        %get3A = arith.index_cast %add3A_98 : i32 to index
        %get3A_99 = tpu.vector_load %arg5[%get3A] {strides = array<i32>} : memref<16384xi32, #tpu.memory_space<vmem>>, vector<16xi32>,
        %add3A_100 = arith.constant 0 : i32
        %add3A_101 = arith.addi %add3A_100, %mul3A_94 : i32
        %add3A_102 = arith.constant 16 : i32
        %add3A_103 = arith.addi %add3A_101, %add3A_102 : i32
        %get3A_104 = arith.index_cast %add3A_103 : i32 to index
        %get3A_105 = tpu.vector_load %arg5[%get3A_104] {strides = array<i32>} : memref<16384xi32, #tpu.memory_space<vmem>>, vector<16xi32>,
        %add3A_106 = arith.constant 0 : i32
        %add3A_107 = arith.addi %add3A_106, %mul3A_94 : i32
        %add3A_108 = arith.constant 32 : i32
        %add3A_109 = arith.addi %add3A_107, %add3A_108 : i32
        %get3A_110 = arith.index_cast %add3A_109 : i32 to index
        %get3A_111 = tpu.vector_load %arg5[%get3A_110] {strides = array<i32>} : memref<16384xi32, #tpu.memory_space<vmem>>, vector<16xi32>,
        %add3A_112 = arith.constant 0 : i32
        %add3A_113 = arith.addi %add3A_112, %mul3A_94 : i32
        %add3A_114 = arith.constant 48 : i32
        %add3A_115 = arith.addi %add3A_113, %add3A_114 : i32
        %get3A_116 = arith.index_cast %add3A_115 : i32 to index
        %get3A_117 = tpu.vector_load %arg5[%get3A_116] {strides = array<i32>} : memref<16384xi32, #tpu.memory_space<vmem>>, vector<16xi32>,
        %add3A_118 = arith.constant 0 : i32
        %add3A_119 = arith.addi %add3A_118, %mul3A_94 : i32
        %add3A_120 = arith.constant 64 : i32
        %add3A_121 = arith.addi %add3A_119, %add3A_120 : i32
        %get3A_122 = arith.index_cast %add3A_121 : i32 to index
        %get3A_123 = tpu.vector_load %arg5[%get3A_122] {strides = array<i32>} : memref<16384xi32, #tpu.memory_space<vmem>>, vector<16xi32>,
        %add3A_124 = arith.constant 0 : i32
        %add3A_125 = arith.addi %add3A_124, %mul3A_94 : i32
        %add3A_126 = arith.constant 80 : i32
        %add3A_127 = arith.addi %add3A_125, %add3A_126 : i32
        %get3A_128 = arith.index_cast %add3A_127 : i32 to index
        %get3A_129 = tpu.vector_load %arg5[%get3A_128] {strides = array<i32>} : memref<16384xi32, #tpu.memory_space<vmem>>, vector<16xi32>,
        %add3A_130 = arith.constant 0 : i32
        %add3A_131 = arith.addi %add3A_130, %mul3A_94 : i32
        %add3A_132 = arith.constant 96 : i32
        %add3A_133 = arith.addi %add3A_131, %add3A_132 : i32
        %get3A_134 = arith.index_cast %add3A_133 : i32 to index
        %get3A_135 = tpu.vector_load %arg5[%get3A_134] {strides = array<i32>} : memref<16384xi32, #tpu.memory_space<vmem>>, vector<16xi32>,
        %add3A_136 = arith.constant 0 : i32
        %add3A_137 = arith.addi %add3A_136, %mul3A_94 : i32
        %add3A_138 = arith.constant 112 : i32
        %add3A_139 = arith.addi %add3A_137, %add3A_138 : i32
        %get3A_140 = arith.index_cast %add3A_139 : i32 to index
        %get3A_141 = tpu.vector_load %arg5[%get3A_140] {strides = array<i32>} : memref<16384xi32, #tpu.memory_space<vmem>>, vector<16xi32>,
        %add3A_142 = arith.constant 0 : i32
        %add3A_143 = arith.addi %add3A_142, %mul3A_94 : i32
        %add3A_144 = arith.constant 128 : i32
        %add3A_145 = arith.addi %add3A_143, %add3A_144 : i32
        %get3A_146 = arith.index_cast %add3A_145 : i32 to index
        %get3A_147 = tpu.vector_load %arg5[%get3A_146] {strides = array<i32>} : memref<16384xi32, #tpu.memory_space<vmem>>, vector<16xi32>,
        %add3A_148 = arith.constant 0 : i32
        %add3A_149 = arith.addi %add3A_148, %mul3A_94 : i32
        %add3A_150 = arith.constant 144 : i32
        %add3A_151 = arith.addi %add3A_149, %add3A_150 : i32
        %get3A_152 = arith.index_cast %add3A_151 : i32 to index
        %get3A_153 = tpu.vector_load %arg5[%get3A_152] {strides = array<i32>} : memref<16384xi32, #tpu.memory_space<vmem>>, vector<16xi32>,
        %add3A_154 = arith.constant 0 : i32
        %add3A_155 = arith.addi %add3A_154, %mul3A_94 : i32
        %add3A_156 = arith.constant 160 : i32
        %add3A_157 = arith.addi %add3A_155, %add3A_156 : i32
        %get3A_158 = arith.index_cast %add3A_157 : i32 to index
        %get3A_159 = tpu.vector_load %arg5[%get3A_158] {strides = array<i32>} : memref<16384xi32, #tpu.memory_space<vmem>>, vector<16xi32>,
        %add3A_160 = arith.constant 0 : i32
        %add3A_161 = arith.addi %add3A_160, %mul3A_94 : i32
        %add3A_162 = arith.constant 176 : i32
        %add3A_163 = arith.addi %add3A_161, %add3A_162 : i32
        %get3A_164 = arith.index_cast %add3A_163 : i32 to index
        %get3A_165 = tpu.vector_load %arg5[%get3A_164] {strides = array<i32>} : memref<16384xi32, #tpu.memory_space<vmem>>, vector<16xi32>,
        %add3A_166 = arith.constant 0 : i32
        %add3A_167 = arith.addi %add3A_166, %mul3A_94 : i32
        %add3A_168 = arith.constant 192 : i32
        %add3A_169 = arith.addi %add3A_167, %add3A_168 : i32
        %get3A_170 = arith.index_cast %add3A_169 : i32 to index
        %get3A_171 = tpu.vector_load %arg5[%get3A_170] {strides = array<i32>} : memref<16384xi32, #tpu.memory_space<vmem>>, vector<16xi32>,
        %add3A_172 = arith.constant 0 : i32
        %add3A_173 = arith.addi %add3A_172, %mul3A_94 : i32
        %add3A_174 = arith.constant 208 : i32
        %add3A_175 = arith.addi %add3A_173, %add3A_174 : i32
        %get3A_176 = arith.index_cast %add3A_175 : i32 to index
        %get3A_177 = tpu.vector_load %arg5[%get3A_176] {strides = array<i32>} : memref<16384xi32, #tpu.memory_space<vmem>>, vector<16xi32>,
        %add3A_178 = arith.constant 0 : i32
        %add3A_179 = arith.addi %add3A_178, %mul3A_94 : i32
        %add3A_180 = arith.constant 224 : i32
        %add3A_181 = arith.addi %add3A_179, %add3A_180 : i32
        %get3A_182 = arith.index_cast %add3A_181 : i32 to index
        %get3A_183 = tpu.vector_load %arg5[%get3A_182] {strides = array<i32>} : memref<16384xi32, #tpu.memory_space<vmem>>, vector<16xi32>,
        %add3A_184 = arith.constant 0 : i32
        %add3A_185 = arith.addi %add3A_184, %mul3A_94 : i32
        %add3A_186 = arith.constant 240 : i32
        %add3A_187 = arith.addi %add3A_185, %add3A_186 : i32
        %get3A_188 = arith.index_cast %add3A_187 : i32 to index
        %get3A_189 = tpu.vector_load %arg5[%get3A_188] {strides = array<i32>} : memref<16384xi32, #tpu.memory_space<vmem>>, vector<16xi32>,
        %gather3A = tpu.vector_load_idx %arg6[%get3A_99] : memref<100000xf32, #tpu.memory_space<vmem>>[vector<16xi32>], vector<16xf32>,
        %gather3A_190 = tpu.vector_load_idx %arg6[%get3A_105] : memref<100000xf32, #tpu.memory_space<vmem>>[vector<16xi32>], vector<16xf32>,
        %gather3A_191 = tpu.vector_load_idx %arg6[%get3A_111] : memref<100000xf32, #tpu.memory_space<vmem>>[vector<16xi32>], vector<16xf32>,
        %gather3A_192 = tpu.vector_load_idx %arg6[%get3A_117] : memref<100000xf32, #tpu.memory_space<vmem>>[vector<16xi32>], vector<16xf32>,
        %gather3A_193 = tpu.vector_load_idx %arg6[%get3A_123] : memref<100000xf32, #tpu.memory_space<vmem>>[vector<16xi32>], vector<16xf32>,
        %gather3A_194 = tpu.vector_load_idx %arg6[%get3A_129] : memref<100000xf32, #tpu.memory_space<vmem>>[vector<16xi32>], vector<16xf32>,
        %gather3A_195 = tpu.vector_load_idx %arg6[%get3A_135] : memref<100000xf32, #tpu.memory_space<vmem>>[vector<16xi32>], vector<16xf32>,
        %gather3A_196 = tpu.vector_load_idx %arg6[%get3A_141] : memref<100000xf32, #tpu.memory_space<vmem>>[vector<16xi32>], vector<16xf32>,
        %gather3A_197 = tpu.vector_load_idx %arg6[%get3A_147] : memref<100000xf32, #tpu.memory_space<vmem>>[vector<16xi32>], vector<16xf32>,
        %gather3A_198 = tpu.vector_load_idx %arg6[%get3A_153] : memref<100000xf32, #tpu.memory_space<vmem>>[vector<16xi32>], vector<16xf32>,
        %gather3A_199 = tpu.vector_load_idx %arg6[%get3A_159] : memref<100000xf32, #tpu.memory_space<vmem>>[vector<16xi32>], vector<16xf32>,
        %gather3A_200 = tpu.vector_load_idx %arg6[%get3A_165] : memref<100000xf32, #tpu.memory_space<vmem>>[vector<16xi32>], vector<16xf32>,
        %gather3A_201 = tpu.vector_load_idx %arg6[%get3A_171] : memref<100000xf32, #tpu.memory_space<vmem>>[vector<16xi32>], vector<16xf32>,
        %gather3A_202 = tpu.vector_load_idx %arg6[%get3A_177] : memref<100000xf32, #tpu.memory_space<vmem>>[vector<16xi32>], vector<16xf32>,
        %gather3A_203 = tpu.vector_load_idx %arg6[%get3A_183] : memref<100000xf32, #tpu.memory_space<vmem>>[vector<16xi32>], vector<16xf32>,
        %gather3A_204 = tpu.vector_load_idx %arg6[%get3A_189] : memref<100000xf32, #tpu.memory_space<vmem>>[vector<16xi32>], vector<16xf32>,
        %add3A_205 = arith.constant 0 : i32
        %add3A_206 = arith.addi %mul3A_94, %add3A_205 : i32
        %swap3A = arith.index_cast %add3A_206 : i32 to index
        %swap3A_207 = tpu.vector_load %arg7[%swap3A] {strides = array<i32>} : memref<4096xf32, #tpu.memory_space<vmem>>, vector<16xf32>,
        tpu.vector_store %arg7[%swap3A], %gather3A {strides = array<i32>} : memref<4096xf32, #tpu.memory_space<vmem>>, vector<16xf32>,
        %add3A_208 = arith.constant 16 : i32
        %add3A_209 = arith.addi %mul3A_94, %add3A_208 : i32
        %swap3A_210 = arith.index_cast %add3A_209 : i32 to index
        %swap3A_211 = tpu.vector_load %arg7[%swap3A_210] {strides = array<i32>} : memref<4096xf32, #tpu.memory_space<vmem>>, vector<16xf32>,
        tpu.vector_store %arg7[%swap3A_210], %gather3A_190 {strides = array<i32>} : memref<4096xf32, #tpu.memory_space<vmem>>, vector<16xf32>,
        %add3A_212 = arith.constant 32 : i32
        %add3A_213 = arith.addi %mul3A_94, %add3A_212 : i32
        %swap3A_214 = arith.index_cast %add3A_213 : i32 to index
        %swap3A_215 = tpu.vector_load %arg7[%swap3A_214] {strides = array<i32>} : memref<4096xf32, #tpu.memory_space<vmem>>, vector<16xf32>,
        tpu.vector_store %arg7[%swap3A_214], %gather3A_191 {strides = array<i32>} : memref<4096xf32, #tpu.memory_space<vmem>>, vector<16xf32>,
        %add3A_216 = arith.constant 48 : i32
        %add3A_217 = arith.addi %mul3A_94, %add3A_216 : i32
        %swap3A_218 = arith.index_cast %add3A_217 : i32 to index
        %swap3A_219 = tpu.vector_load %arg7[%swap3A_218] {strides = array<i32>} : memref<4096xf32, #tpu.memory_space<vmem>>, vector<16xf32>,
        tpu.vector_store %arg7[%swap3A_218], %gather3A_192 {strides = array<i32>} : memref<4096xf32, #tpu.memory_space<vmem>>, vector<16xf32>,
        %add3A_220 = arith.constant 64 : i32
        %add3A_221 = arith.addi %mul3A_94, %add3A_220 : i32
        %swap3A_222 = arith.index_cast %add3A_221 : i32 to index
        %swap3A_223 = tpu.vector_load %arg7[%swap3A_222] {strides = array<i32>} : memref<4096xf32, #tpu.memory_space<vmem>>, vector<16xf32>,
        tpu.vector_store %arg7[%swap3A_222], %gather3A_193 {strides = array<i32>} : memref<4096xf32, #tpu.memory_space<vmem>>, vector<16xf32>,
        %add3A_224 = arith.constant 80 : i32
        %add3A_225 = arith.addi %mul3A_94, %add3A_224 : i32
        %swap3A_226 = arith.index_cast %add3A_225 : i32 to index
        %swap3A_227 = tpu.vector_load %arg7[%swap3A_226] {strides = array<i32>} : memref<4096xf32, #tpu.memory_space<vmem>>, vector<16xf32>,
        tpu.vector_store %arg7[%swap3A_226], %gather3A_194 {strides = array<i32>} : memref<4096xf32, #tpu.memory_space<vmem>>, vector<16xf32>,
        %add3A_228 = arith.constant 96 : i32
        %add3A_229 = arith.addi %mul3A_94, %add3A_228 : i32
        %swap3A_230 = arith.index_cast %add3A_229 : i32 to index
        %swap3A_231 = tpu.vector_load %arg7[%swap3A_230] {strides = array<i32>} : memref<4096xf32, #tpu.memory_space<vmem>>, vector<16xf32>,
        tpu.vector_store %arg7[%swap3A_230], %gather3A_195 {strides = array<i32>} : memref<4096xf32, #tpu.memory_space<vmem>>, vector<16xf32>,
        %add3A_232 = arith.constant 112 : i32
        %add3A_233 = arith.addi %mul3A_94, %add3A_232 : i32
        %swap3A_234 = arith.index_cast %add3A_233 : i32 to index
        %swap3A_235 = tpu.vector_load %arg7[%swap3A_234] {strides = array<i32>} : memref<4096xf32, #tpu.memory_space<vmem>>, vector<16xf32>,
        tpu.vector_store %arg7[%swap3A_234], %gather3A_196 {strides = array<i32>} : memref<4096xf32, #tpu.memory_space<vmem>>, vector<16xf32>,
        %add3A_236 = arith.constant 128 : i32
        %add3A_237 = arith.addi %mul3A_94, %add3A_236 : i32
        %swap3A_238 = arith.index_cast %add3A_237 : i32 to index
        %swap3A_239 = tpu.vector_load %arg7[%swap3A_238] {strides = array<i32>} : memref<4096xf32, #tpu.memory_space<vmem>>, vector<16xf32>,
        tpu.vector_store %arg7[%swap3A_238], %gather3A_197 {strides = array<i32>} : memref<4096xf32, #tpu.memory_space<vmem>>, vector<16xf32>,
        %add3A_240 = arith.constant 144 : i32
        %add3A_241 = arith.addi %mul3A_94, %add3A_240 : i32
        %swap3A_242 = arith.index_cast %add3A_241 : i32 to index
        %swap3A_243 = tpu.vector_load %arg7[%swap3A_242] {strides = array<i32>} : memref<4096xf32, #tpu.memory_space<vmem>>, vector<16xf32>,
        tpu.vector_store %arg7[%swap3A_242], %gather3A_198 {strides = array<i32>} : memref<4096xf32, #tpu.memory_space<vmem>>, vector<16xf32>,
        %add3A_244 = arith.constant 160 : i32
        %add3A_245 = arith.addi %mul3A_94, %add3A_244 : i32
        %swap3A_246 = arith.index_cast %add3A_245 : i32 to index
        %swap3A_247 = tpu.vector_load %arg7[%swap3A_246] {strides = array<i32>} : memref<4096xf32, #tpu.memory_space<vmem>>, vector<16xf32>,
        tpu.vector_store %arg7[%swap3A_246], %gather3A_199 {strides = array<i32>} : memref<4096xf32, #tpu.memory_space<vmem>>, vector<16xf32>,
        %add3A_248 = arith.constant 176 : i32
        %add3A_249 = arith.addi %mul3A_94, %add3A_248 : i32
        %swap3A_250 = arith.index_cast %add3A_249 : i32 to index
        %swap3A_251 = tpu.vector_load %arg7[%swap3A_250] {strides = array<i32>} : memref<4096xf32, #tpu.memory_space<vmem>>, vector<16xf32>,
        tpu.vector_store %arg7[%swap3A_250], %gather3A_200 {strides = array<i32>} : memref<4096xf32, #tpu.memory_space<vmem>>, vector<16xf32>,
        %add3A_252 = arith.constant 192 : i32
        %add3A_253 = arith.addi %mul3A_94, %add3A_252 : i32
        %swap3A_254 = arith.index_cast %add3A_253 : i32 to index
        %swap3A_255 = tpu.vector_load %arg7[%swap3A_254] {strides = array<i32>} : memref<4096xf32, #tpu.memory_space<vmem>>, vector<16xf32>,
        tpu.vector_store %arg7[%swap3A_254], %gather3A_201 {strides = array<i32>} : memref<4096xf32, #tpu.memory_space<vmem>>, vector<16xf32>,
        %add3A_256 = arith.constant 208 : i32
        %add3A_257 = arith.addi %mul3A_94, %add3A_256 : i32
        %swap3A_258 = arith.index_cast %add3A_257 : i32 to index
        %swap3A_259 = tpu.vector_load %arg7[%swap3A_258] {strides = array<i32>} : memref<4096xf32, #tpu.memory_space<vmem>>, vector<16xf32>,
        tpu.vector_store %arg7[%swap3A_258], %gather3A_202 {strides = array<i32>} : memref<4096xf32, #tpu.memory_space<vmem>>, vector<16xf32>,
        %add3A_260 = arith.constant 224 : i32
        %add3A_261 = arith.addi %mul3A_94, %add3A_260 : i32
        %swap3A_262 = arith.index_cast %add3A_261 : i32 to index
        %swap3A_263 = tpu.vector_load %arg7[%swap3A_262] {strides = array<i32>} : memref<4096xf32, #tpu.memory_space<vmem>>, vector<16xf32>,
        tpu.vector_store %arg7[%swap3A_262], %gather3A_203 {strides = array<i32>} : memref<4096xf32, #tpu.memory_space<vmem>>, vector<16xf32>,
        %add3A_264 = arith.constant 240 : i32
        %add3A_265 = arith.addi %mul3A_94, %add3A_264 : i32
        %swap3A_266 = arith.index_cast %add3A_265 : i32 to index
        %swap3A_267 = tpu.vector_load %arg7[%swap3A_266] {strides = array<i32>} : memref<4096xf32, #tpu.memory_space<vmem>>, vector<16xf32>,
        tpu.vector_store %arg7[%swap3A_266], %gather3A_204 {strides = array<i32>} : memref<4096xf32, #tpu.memory_space<vmem>>, vector<16xf32>,
        %scan3A_268 = arith.constant 1 : i32
        %scan3A_269 = arith.addi %scan3A_92, %scan3A_268 : i32
        %mul3A_270 = arith.constant 256 : i32
        %mul3A_271 = arith.muli %scan3A_269, %mul3A_270 : i32
        %add3A_272 = arith.constant 0 : i32
        %add3A_273 = arith.addi %add3A_272, %mul3A_271 : i32
        %add3A_274 = arith.constant 0 : i32
        %add3A_275 = arith.addi %add3A_273, %add3A_274 : i32
        %get3A_276 = arith.index_cast %add3A_275 : i32 to index
        %get3A_277 = tpu.vector_load %arg5[%get3A_276] {strides = array<i32>} : memref<16384xi32, #tpu.memory_space<vmem>>, vector<16xi32>,
        %add3A_278 = arith.constant 0 : i32
        %add3A_279 = arith.addi %add3A_278, %mul3A_271 : i32
        %add3A_280 = arith.constant 16 : i32
        %add3A_281 = arith.addi %add3A_279, %add3A_280 : i32
        %get3A_282 = arith.index_cast %add3A_281 : i32 to index
        %get3A_283 = tpu.vector_load %arg5[%get3A_282] {strides = array<i32>} : memref<16384xi32, #tpu.memory_space<vmem>>, vector<16xi32>,
        %add3A_284 = arith.constant 0 : i32
        %add3A_285 = arith.addi %add3A_284, %mul3A_271 : i32
        %add3A_286 = arith.constant 32 : i32
        %add3A_287 = arith.addi %add3A_285, %add3A_286 : i32
        %get3A_288 = arith.index_cast %add3A_287 : i32 to index
        %get3A_289 = tpu.vector_load %arg5[%get3A_288] {strides = array<i32>} : memref<16384xi32, #tpu.memory_space<vmem>>, vector<16xi32>,
        %add3A_290 = arith.constant 0 : i32
        %add3A_291 = arith.addi %add3A_290, %mul3A_271 : i32
        %add3A_292 = arith.constant 48 : i32
        %add3A_293 = arith.addi %add3A_291, %add3A_292 : i32
        %get3A_294 = arith.index_cast %add3A_293 : i32 to index
        %get3A_295 = tpu.vector_load %arg5[%get3A_294] {strides = array<i32>} : memref<16384xi32, #tpu.memory_space<vmem>>, vector<16xi32>,
        %add3A_296 = arith.constant 0 : i32
        %add3A_297 = arith.addi %add3A_296, %mul3A_271 : i32
        %add3A_298 = arith.constant 64 : i32
        %add3A_299 = arith.addi %add3A_297, %add3A_298 : i32
        %get3A_300 = arith.index_cast %add3A_299 : i32 to index
        %get3A_301 = tpu.vector_load %arg5[%get3A_300] {strides = array<i32>} : memref<16384xi32, #tpu.memory_space<vmem>>, vector<16xi32>,
        %add3A_302 = arith.constant 0 : i32
        %add3A_303 = arith.addi %add3A_302, %mul3A_271 : i32
        %add3A_304 = arith.constant 80 : i32
        %add3A_305 = arith.addi %add3A_303, %add3A_304 : i32
        %get3A_306 = arith.index_cast %add3A_305 : i32 to index
        %get3A_307 = tpu.vector_load %arg5[%get3A_306] {strides = array<i32>} : memref<16384xi32, #tpu.memory_space<vmem>>, vector<16xi32>,
        %add3A_308 = arith.constant 0 : i32
        %add3A_309 = arith.addi %add3A_308, %mul3A_271 : i32
        %add3A_310 = arith.constant 96 : i32
        %add3A_311 = arith.addi %add3A_309, %add3A_310 : i32
        %get3A_312 = arith.index_cast %add3A_311 : i32 to index
        %get3A_313 = tpu.vector_load %arg5[%get3A_312] {strides = array<i32>} : memref<16384xi32, #tpu.memory_space<vmem>>, vector<16xi32>,
        %add3A_314 = arith.constant 0 : i32
        %add3A_315 = arith.addi %add3A_314, %mul3A_271 : i32
        %add3A_316 = arith.constant 112 : i32
        %add3A_317 = arith.addi %add3A_315, %add3A_316 : i32
        %get3A_318 = arith.index_cast %add3A_317 : i32 to index
        %get3A_319 = tpu.vector_load %arg5[%get3A_318] {strides = array<i32>} : memref<16384xi32, #tpu.memory_space<vmem>>, vector<16xi32>,
        %add3A_320 = arith.constant 0 : i32
        %add3A_321 = arith.addi %add3A_320, %mul3A_271 : i32
        %add3A_322 = arith.constant 128 : i32
        %add3A_323 = arith.addi %add3A_321, %add3A_322 : i32
        %get3A_324 = arith.index_cast %add3A_323 : i32 to index
        %get3A_325 = tpu.vector_load %arg5[%get3A_324] {strides = array<i32>} : memref<16384xi32, #tpu.memory_space<vmem>>, vector<16xi32>,
        %add3A_326 = arith.constant 0 : i32
        %add3A_327 = arith.addi %add3A_326, %mul3A_271 : i32
        %add3A_328 = arith.constant 144 : i32
        %add3A_329 = arith.addi %add3A_327, %add3A_328 : i32
        %get3A_330 = arith.index_cast %add3A_329 : i32 to index
        %get3A_331 = tpu.vector_load %arg5[%get3A_330] {strides = array<i32>} : memref<16384xi32, #tpu.memory_space<vmem>>, vector<16xi32>,
        %add3A_332 = arith.constant 0 : i32
        %add3A_333 = arith.addi %add3A_332, %mul3A_271 : i32
        %add3A_334 = arith.constant 160 : i32
        %add3A_335 = arith.addi %add3A_333, %add3A_334 : i32
        %get3A_336 = arith.index_cast %add3A_335 : i32 to index
        %get3A_337 = tpu.vector_load %arg5[%get3A_336] {strides = array<i32>} : memref<16384xi32, #tpu.memory_space<vmem>>, vector<16xi32>,
        %add3A_338 = arith.constant 0 : i32
        %add3A_339 = arith.addi %add3A_338, %mul3A_271 : i32
        %add3A_340 = arith.constant 176 : i32
        %add3A_341 = arith.addi %add3A_339, %add3A_340 : i32
        %get3A_342 = arith.index_cast %add3A_341 : i32 to index
        %get3A_343 = tpu.vector_load %arg5[%get3A_342] {strides = array<i32>} : memref<16384xi32, #tpu.memory_space<vmem>>, vector<16xi32>,
        %add3A_344 = arith.constant 0 : i32
        %add3A_345 = arith.addi %add3A_344, %mul3A_271 : i32
        %add3A_346 = arith.constant 192 : i32
        %add3A_347 = arith.addi %add3A_345, %add3A_346 : i32
        %get3A_348 = arith.index_cast %add3A_347 : i32 to index
        %get3A_349 = tpu.vector_load %arg5[%get3A_348] {strides = array<i32>} : memref<16384xi32, #tpu.memory_space<vmem>>, vector<16xi32>,
        %add3A_350 = arith.constant 0 : i32
        %add3A_351 = arith.addi %add3A_350, %mul3A_271 : i32
        %add3A_352 = arith.constant 208 : i32
        %add3A_353 = arith.addi %add3A_351, %add3A_352 : i32
        %get3A_354 = arith.index_cast %add3A_353 : i32 to index
        %get3A_355 = tpu.vector_load %arg5[%get3A_354] {strides = array<i32>} : memref<16384xi32, #tpu.memory_space<vmem>>, vector<16xi32>,
        %add3A_356 = arith.constant 0 : i32
        %add3A_357 = arith.addi %add3A_356, %mul3A_271 : i32
        %add3A_358 = arith.constant 224 : i32
        %add3A_359 = arith.addi %add3A_357, %add3A_358 : i32
        %get3A_360 = arith.index_cast %add3A_359 : i32 to index
        %get3A_361 = tpu.vector_load %arg5[%get3A_360] {strides = array<i32>} : memref<16384xi32, #tpu.memory_space<vmem>>, vector<16xi32>,
        %add3A_362 = arith.constant 0 : i32
        %add3A_363 = arith.addi %add3A_362, %mul3A_271 : i32
        %add3A_364 = arith.constant 240 : i32
        %add3A_365 = arith.addi %add3A_363, %add3A_364 : i32
        %get3A_366 = arith.index_cast %add3A_365 : i32 to index
        %get3A_367 = tpu.vector_load %arg5[%get3A_366] {strides = array<i32>} : memref<16384xi32, #tpu.memory_space<vmem>>, vector<16xi32>,
        %gather3A_368 = tpu.vector_load_idx %arg6[%get3A_277] : memref<100000xf32, #tpu.memory_space<vmem>>[vector<16xi32>], vector<16xf32>,
        %gather3A_369 = tpu.vector_load_idx %arg6[%get3A_283] : memref<100000xf32, #tpu.memory_space<vmem>>[vector<16xi32>], vector<16xf32>,
        %gather3A_370 = tpu.vector_load_idx %arg6[%get3A_289] : memref<100000xf32, #tpu.memory_space<vmem>>[vector<16xi32>], vector<16xf32>,
        %gather3A_371 = tpu.vector_load_idx %arg6[%get3A_295] : memref<100000xf32, #tpu.memory_space<vmem>>[vector<16xi32>], vector<16xf32>,
        %gather3A_372 = tpu.vector_load_idx %arg6[%get3A_301] : memref<100000xf32, #tpu.memory_space<vmem>>[vector<16xi32>], vector<16xf32>,
        %gather3A_373 = tpu.vector_load_idx %arg6[%get3A_307] : memref<100000xf32, #tpu.memory_space<vmem>>[vector<16xi32>], vector<16xf32>,
        %gather3A_374 = tpu.vector_load_idx %arg6[%get3A_313] : memref<100000xf32, #tpu.memory_space<vmem>>[vector<16xi32>], vector<16xf32>,
        %gather3A_375 = tpu.vector_load_idx %arg6[%get3A_319] : memref<100000xf32, #tpu.memory_space<vmem>>[vector<16xi32>], vector<16xf32>,
        %gather3A_376 = tpu.vector_load_idx %arg6[%get3A_325] : memref<100000xf32, #tpu.memory_space<vmem>>[vector<16xi32>], vector<16xf32>,
        %gather3A_377 = tpu.vector_load_idx %arg6[%get3A_331] : memref<100000xf32, #tpu.memory_space<vmem>>[vector<16xi32>], vector<16xf32>,
        %gather3A_378 = tpu.vector_load_idx %arg6[%get3A_337] : memref<100000xf32, #tpu.memory_space<vmem>>[vector<16xi32>], vector<16xf32>,
        %gather3A_379 = tpu.vector_load_idx %arg6[%get3A_343] : memref<100000xf32, #tpu.memory_space<vmem>>[vector<16xi32>], vector<16xf32>,
        %gather3A_380 = tpu.vector_load_idx %arg6[%get3A_349] : memref<100000xf32, #tpu.memory_space<vmem>>[vector<16xi32>], vector<16xf32>,
        %gather3A_381 = tpu.vector_load_idx %arg6[%get3A_355] : memref<100000xf32, #tpu.memory_space<vmem>>[vector<16xi32>], vector<16xf32>,
        %gather3A_382 = tpu.vector_load_idx %arg6[%get3A_361] : memref<100000xf32, #tpu.memory_space<vmem>>[vector<16xi32>], vector<16xf32>,
        %gather3A_383 = tpu.vector_load_idx %arg6[%get3A_367] : memref<100000xf32, #tpu.memory_space<vmem>>[vector<16xi32>], vector<16xf32>,
        %add3A_384 = arith.constant 0 : i32
        %add3A_385 = arith.addi %mul3A_271, %add3A_384 : i32
        %swap3A_386 = arith.index_cast %add3A_385 : i32 to index
        %swap3A_387 = tpu.vector_load %arg7[%swap3A_386] {strides = array<i32>} : memref<4096xf32, #tpu.memory_space<vmem>>, vector<16xf32>,
        tpu.vector_store %arg7[%swap3A_386], %gather3A_368 {strides = array<i32>} : memref<4096xf32, #tpu.memory_space<vmem>>, vector<16xf32>,
        %add3A_388 = arith.constant 16 : i32
        %add3A_389 = arith.addi %mul3A_271, %add3A_388 : i32
        %swap3A_390 = arith.index_cast %add3A_389 : i32 to index
        %swap3A_391 = tpu.vector_load %arg7[%swap3A_390] {strides = array<i32>} : memref<4096xf32, #tpu.memory_space<vmem>>, vector<16xf32>,
        tpu.vector_store %arg7[%swap3A_390], %gather3A_369 {strides = array<i32>} : memref<4096xf32, #tpu.memory_space<vmem>>, vector<16xf32>,
        %add3A_392 = arith.constant 32 : i32
        %add3A_393 = arith.addi %mul3A_271, %add3A_392 : i32
        %swap3A_394 = arith.index_cast %add3A_393 : i32 to index
        %swap3A_395 = tpu.vector_load %arg7[%swap3A_394] {strides = array<i32>} : memref<4096xf32, #tpu.memory_space<vmem>>, vector<16xf32>,
        tpu.vector_store %arg7[%swap3A_394], %gather3A_370 {strides = array<i32>} : memref<4096xf32, #tpu.memory_space<vmem>>, vector<16xf32>,
        %add3A_396 = arith.constant 48 : i32
        %add3A_397 = arith.addi %mul3A_271, %add3A_396 : i32
        %swap3A_398 = arith.index_cast %add3A_397 : i32 to index
        %swap3A_399 = tpu.vector_load %arg7[%swap3A_398] {strides = array<i32>} : memref<4096xf32, #tpu.memory_space<vmem>>, vector<16xf32>,
        tpu.vector_store %arg7[%swap3A_398], %gather3A_371 {strides = array<i32>} : memref<4096xf32, #tpu.memory_space<vmem>>, vector<16xf32>,
        %add3A_400 = arith.constant 64 : i32
        %add3A_401 = arith.addi %mul3A_271, %add3A_400 : i32
        %swap3A_402 = arith.index_cast %add3A_401 : i32 to index
        %swap3A_403 = tpu.vector_load %arg7[%swap3A_402] {strides = array<i32>} : memref<4096xf32, #tpu.memory_space<vmem>>, vector<16xf32>,
        tpu.vector_store %arg7[%swap3A_402], %gather3A_372 {strides = array<i32>} : memref<4096xf32, #tpu.memory_space<vmem>>, vector<16xf32>,
        %add3A_404 = arith.constant 80 : i32
        %add3A_405 = arith.addi %mul3A_271, %add3A_404 : i32
        %swap3A_406 = arith.index_cast %add3A_405 : i32 to index
        %swap3A_407 = tpu.vector_load %arg7[%swap3A_406] {strides = array<i32>} : memref<4096xf32, #tpu.memory_space<vmem>>, vector<16xf32>,
        tpu.vector_store %arg7[%swap3A_406], %gather3A_373 {strides = array<i32>} : memref<4096xf32, #tpu.memory_space<vmem>>, vector<16xf32>,
        %add3A_408 = arith.constant 96 : i32
        %add3A_409 = arith.addi %mul3A_271, %add3A_408 : i32
        %swap3A_410 = arith.index_cast %add3A_409 : i32 to index
        %swap3A_411 = tpu.vector_load %arg7[%swap3A_410] {strides = array<i32>} : memref<4096xf32, #tpu.memory_space<vmem>>, vector<16xf32>,
        tpu.vector_store %arg7[%swap3A_410], %gather3A_374 {strides = array<i32>} : memref<4096xf32, #tpu.memory_space<vmem>>, vector<16xf32>,
        %add3A_412 = arith.constant 112 : i32
        %add3A_413 = arith.addi %mul3A_271, %add3A_412 : i32
        %swap3A_414 = arith.index_cast %add3A_413 : i32 to index
        %swap3A_415 = tpu.vector_load %arg7[%swap3A_414] {strides = array<i32>} : memref<4096xf32, #tpu.memory_space<vmem>>, vector<16xf32>,
        tpu.vector_store %arg7[%swap3A_414], %gather3A_375 {strides = array<i32>} : memref<4096xf32, #tpu.memory_space<vmem>>, vector<16xf32>,
        %add3A_416 = arith.constant 128 : i32
        %add3A_417 = arith.addi %mul3A_271, %add3A_416 : i32
        %swap3A_418 = arith.index_cast %add3A_417 : i32 to index
        %swap3A_419 = tpu.vector_load %arg7[%swap3A_418] {strides = array<i32>} : memref<4096xf32, #tpu.memory_space<vmem>>, vector<16xf32>,
        tpu.vector_store %arg7[%swap3A_418], %gather3A_376 {strides = array<i32>} : memref<4096xf32, #tpu.memory_space<vmem>>, vector<16xf32>,
        %add3A_420 = arith.constant 144 : i32
        %add3A_421 = arith.addi %mul3A_271, %add3A_420 : i32
        %swap3A_422 = arith.index_cast %add3A_421 : i32 to index
        %swap3A_423 = tpu.vector_load %arg7[%swap3A_422] {strides = array<i32>} : memref<4096xf32, #tpu.memory_space<vmem>>, vector<16xf32>,
        tpu.vector_store %arg7[%swap3A_422], %gather3A_377 {strides = array<i32>} : memref<4096xf32, #tpu.memory_space<vmem>>, vector<16xf32>,
        %add3A_424 = arith.constant 160 : i32
        %add3A_425 = arith.addi %mul3A_271, %add3A_424 : i32
        %swap3A_426 = arith.index_cast %add3A_425 : i32 to index
        %swap3A_427 = tpu.vector_load %arg7[%swap3A_426] {strides = array<i32>} : memref<4096xf32, #tpu.memory_space<vmem>>, vector<16xf32>,
        tpu.vector_store %arg7[%swap3A_426], %gather3A_378 {strides = array<i32>} : memref<4096xf32, #tpu.memory_space<vmem>>, vector<16xf32>,
        %add3A_428 = arith.constant 176 : i32
        %add3A_429 = arith.addi %mul3A_271, %add3A_428 : i32
        %swap3A_430 = arith.index_cast %add3A_429 : i32 to index
        %swap3A_431 = tpu.vector_load %arg7[%swap3A_430] {strides = array<i32>} : memref<4096xf32, #tpu.memory_space<vmem>>, vector<16xf32>,
        tpu.vector_store %arg7[%swap3A_430], %gather3A_379 {strides = array<i32>} : memref<4096xf32, #tpu.memory_space<vmem>>, vector<16xf32>,
        %add3A_432 = arith.constant 192 : i32
        %add3A_433 = arith.addi %mul3A_271, %add3A_432 : i32
        %swap3A_434 = arith.index_cast %add3A_433 : i32 to index
        %swap3A_435 = tpu.vector_load %arg7[%swap3A_434] {strides = array<i32>} : memref<4096xf32, #tpu.memory_space<vmem>>, vector<16xf32>,
        tpu.vector_store %arg7[%swap3A_434], %gather3A_380 {strides = array<i32>} : memref<4096xf32, #tpu.memory_space<vmem>>, vector<16xf32>,
        %add3A_436 = arith.constant 208 : i32
        %add3A_437 = arith.addi %mul3A_271, %add3A_436 : i32
        %swap3A_438 = arith.index_cast %add3A_437 : i32 to index
        %swap3A_439 = tpu.vector_load %arg7[%swap3A_438] {strides = array<i32>} : memref<4096xf32, #tpu.memory_space<vmem>>, vector<16xf32>,
        tpu.vector_store %arg7[%swap3A_438], %gather3A_381 {strides = array<i32>} : memref<4096xf32, #tpu.memory_space<vmem>>, vector<16xf32>,
        %add3A_440 = arith.constant 224 : i32
        %add3A_441 = arith.addi %mul3A_271, %add3A_440 : i32
        %swap3A_442 = arith.index_cast %add3A_441 : i32 to index
        %swap3A_443 = tpu.vector_load %arg7[%swap3A_442] {strides = array<i32>} : memref<4096xf32, #tpu.memory_space<vmem>>, vector<16xf32>,
        tpu.vector_store %arg7[%swap3A_442], %gather3A_382 {strides = array<i32>} : memref<4096xf32, #tpu.memory_space<vmem>>, vector<16xf32>,
        %add3A_444 = arith.constant 240 : i32
        %add3A_445 = arith.addi %mul3A_271, %add3A_444 : i32
        %swap3A_446 = arith.index_cast %add3A_445 : i32 to index
        %swap3A_447 = tpu.vector_load %arg7[%swap3A_446] {strides = array<i32>} : memref<4096xf32, #tpu.memory_space<vmem>>, vector<16xf32>,
        tpu.vector_store %arg7[%swap3A_446], %gather3A_383 {strides = array<i32>} : memref<4096xf32, #tpu.memory_space<vmem>>, vector<16xf32>,
      }
      %scan3A_28 = arith.constant 16 : i32
      %dma_start3A_29 = arith.constant 0 : i32
      %dma_start3A_30 = tpu.memref_slice %arg4[%rem3A_7, %add3A, %dma_start3A_29] : memref<26x32x16384xf32, #tpu.memory_space<hbm>> -> memref<1x1x4096xf32, #tpu.memory_space<hbm>>
      %dma_start3A_31 = tpu.memref_squeeze %dma_start3A_30 : memref<1x1x4096xf32, #tpu.memory_space<hbm>> -> memref<4096xf32, #tpu.memory_space<hbm>>
      %dma_start3A_32 = arith.constant 0 : i32
      %dma_start3A_33 = tpu.memref_slice %arg4[%rem3A_7, %add3A, %dma_start3A_32] : memref<26x32x16384xf32, #tpu.memory_space<hbm>> -> memref<1x1x4096xf32, #tpu.memory_space<hbm>>
      %dma_start3A_34 = tpu.memref_squeeze %dma_start3A_33 : memref<1x1x4096xf32, #tpu.memory_space<hbm>> -> memref<4096xf32, #tpu.memory_space<hbm>>
      tpu.enqueue_dma source(%arg7 : memref<4096xf32, #tpu.memory_space<vmem>>) target(%dma_start3A_34 : memref<4096xf32, #tpu.memory_space<hbm>>) target_semaphore(%arg11 : memref<!tpu.dma_semaphore, #tpu.memory_space<semaphore_mem>>)
      %scan3A_35 = arith.constant 0 : i32
      %scan3A_36 = arith.constant 16 : i32
      %scan3A_37 = arith.addi %scan3A_35, %scan3A_36 : i32
      %scan3A_38 = arith.constant 2 : i32
      scf.for %scan3A_92 = %scan3A_35 to %scan3A_37 step %scan3A_38  : i32 {
        %mul3A_93 = arith.constant 256 : i32
        %mul3A_94 = arith.muli %scan3A_92, %mul3A_93 : i32
        %add3A_95 = arith.constant 4096 : i32
        %add3A_96 = arith.addi %add3A_95, %mul3A_94 : i32
        %add3A_97 = arith.constant 0 : i32
        %add3A_98 = arith.addi %add3A_96, %add3A_97 : i32
        %get3A = arith.index_cast %add3A_98 : i32 to index
        %get3A_99 = tpu.vector_load %arg5[%get3A] {strides = array<i32>} : memref<16384xi32, #tpu.memory_space<vmem>>, vector<16xi32>,
        %add3A_100 = arith.constant 4096 : i32
        %add3A_101 = arith.addi %add3A_100, %mul3A_94 : i32
        %add3A_102 = arith.constant 16 : i32
        %add3A_103 = arith.addi %add3A_101, %add3A_102 : i32
        %get3A_104 = arith.index_cast %add3A_103 : i32 to index
        %get3A_105 = tpu.vector_load %arg5[%get3A_104] {strides = array<i32>} : memref<16384xi32, #tpu.memory_space<vmem>>, vector<16xi32>,
        %add3A_106 = arith.constant 4096 : i32
        %add3A_107 = arith.addi %add3A_106, %mul3A_94 : i32
        %add3A_108 = arith.constant 32 : i32
        %add3A_109 = arith.addi %add3A_107, %add3A_108 : i32
        %get3A_110 = arith.index_cast %add3A_109 : i32 to index
        %get3A_111 = tpu.vector_load %arg5[%get3A_110] {strides = array<i32>} : memref<16384xi32, #tpu.memory_space<vmem>>, vector<16xi32>,
        %add3A_112 = arith.constant 4096 : i32
        %add3A_113 = arith.addi %add3A_112, %mul3A_94 : i32
        %add3A_114 = arith.constant 48 : i32
        %add3A_115 = arith.addi %add3A_113, %add3A_114 : i32
        %get3A_116 = arith.index_cast %add3A_115 : i32 to index
        %get3A_117 = tpu.vector_load %arg5[%get3A_116] {strides = array<i32>} : memref<16384xi32, #tpu.memory_space<vmem>>, vector<16xi32>,
        %add3A_118 = arith.constant 4096 : i32
        %add3A_119 = arith.addi %add3A_118, %mul3A_94 : i32
        %add3A_120 = arith.constant 64 : i32
        %add3A_121 = arith.addi %add3A_119, %add3A_120 : i32
        %get3A_122 = arith.index_cast %add3A_121 : i32 to index
        %get3A_123 = tpu.vector_load %arg5[%get3A_122] {strides = array<i32>} : memref<16384xi32, #tpu.memory_space<vmem>>, vector<16xi32>,
        %add3A_124 = arith.constant 4096 : i32
        %add3A_125 = arith.addi %add3A_124, %mul3A_94 : i32
        %add3A_126 = arith.constant 80 : i32
        %add3A_127 = arith.addi %add3A_125, %add3A_126 : i32
        %get3A_128 = arith.index_cast %add3A_127 : i32 to index
        %get3A_129 = tpu.vector_load %arg5[%get3A_128] {strides = array<i32>} : memref<16384xi32, #tpu.memory_space<vmem>>, vector<16xi32>,
        %add3A_130 = arith.constant 4096 : i32
        %add3A_131 = arith.addi %add3A_130, %mul3A_94 : i32
        %add3A_132 = arith.constant 96 : i32
        %add3A_133 = arith.addi %add3A_131, %add3A_132 : i32
        %get3A_134 = arith.index_cast %add3A_133 : i32 to index
        %get3A_135 = tpu.vector_load %arg5[%get3A_134] {strides = array<i32>} : memref<16384xi32, #tpu.memory_space<vmem>>, vector<16xi32>,
        %add3A_136 = arith.constant 4096 : i32
        %add3A_137 = arith.addi %add3A_136, %mul3A_94 : i32
        %add3A_138 = arith.constant 112 : i32
        %add3A_139 = arith.addi %add3A_137, %add3A_138 : i32
        %get3A_140 = arith.index_cast %add3A_139 : i32 to index
        %get3A_141 = tpu.vector_load %arg5[%get3A_140] {strides = array<i32>} : memref<16384xi32, #tpu.memory_space<vmem>>, vector<16xi32>,
        %add3A_142 = arith.constant 4096 : i32
        %add3A_143 = arith.addi %add3A_142, %mul3A_94 : i32
        %add3A_144 = arith.constant 128 : i32
        %add3A_145 = arith.addi %add3A_143, %add3A_144 : i32
        %get3A_146 = arith.index_cast %add3A_145 : i32 to index
        %get3A_147 = tpu.vector_load %arg5[%get3A_146] {strides = array<i32>} : memref<16384xi32, #tpu.memory_space<vmem>>, vector<16xi32>,
        %add3A_148 = arith.constant 4096 : i32
        %add3A_149 = arith.addi %add3A_148, %mul3A_94 : i32
        %add3A_150 = arith.constant 144 : i32
        %add3A_151 = arith.addi %add3A_149, %add3A_150 : i32
        %get3A_152 = arith.index_cast %add3A_151 : i32 to index
        %get3A_153 = tpu.vector_load %arg5[%get3A_152] {strides = array<i32>} : memref<16384xi32, #tpu.memory_space<vmem>>, vector<16xi32>,
        %add3A_154 = arith.constant 4096 : i32
        %add3A_155 = arith.addi %add3A_154, %mul3A_94 : i32
        %add3A_156 = arith.constant 160 : i32
        %add3A_157 = arith.addi %add3A_155, %add3A_156 : i32
        %get3A_158 = arith.index_cast %add3A_157 : i32 to index
        %get3A_159 = tpu.vector_load %arg5[%get3A_158] {strides = array<i32>} : memref<16384xi32, #tpu.memory_space<vmem>>, vector<16xi32>,
        %add3A_160 = arith.constant 4096 : i32
        %add3A_161 = arith.addi %add3A_160, %mul3A_94 : i32
        %add3A_162 = arith.constant 176 : i32
        %add3A_163 = arith.addi %add3A_161, %add3A_162 : i32
        %get3A_164 = arith.index_cast %add3A_163 : i32 to index
        %get3A_165 = tpu.vector_load %arg5[%get3A_164] {strides = array<i32>} : memref<16384xi32, #tpu.memory_space<vmem>>, vector<16xi32>,
        %add3A_166 = arith.constant 4096 : i32
        %add3A_167 = arith.addi %add3A_166, %mul3A_94 : i32
        %add3A_168 = arith.constant 192 : i32
        %add3A_169 = arith.addi %add3A_167, %add3A_168 : i32
        %get3A_170 = arith.index_cast %add3A_169 : i32 to index
        %get3A_171 = tpu.vector_load %arg5[%get3A_170] {strides = array<i32>} : memref<16384xi32, #tpu.memory_space<vmem>>, vector<16xi32>,
        %add3A_172 = arith.constant 4096 : i32
        %add3A_173 = arith.addi %add3A_172, %mul3A_94 : i32
        %add3A_174 = arith.constant 208 : i32
        %add3A_175 = arith.addi %add3A_173, %add3A_174 : i32
        %get3A_176 = arith.index_cast %add3A_175 : i32 to index
        %get3A_177 = tpu.vector_load %arg5[%get3A_176] {strides = array<i32>} : memref<16384xi32, #tpu.memory_space<vmem>>, vector<16xi32>,
        %add3A_178 = arith.constant 4096 : i32
        %add3A_179 = arith.addi %add3A_178, %mul3A_94 : i32
        %add3A_180 = arith.constant 224 : i32
        %add3A_181 = arith.addi %add3A_179, %add3A_180 : i32
        %get3A_182 = arith.index_cast %add3A_181 : i32 to index
        %get3A_183 = tpu.vector_load %arg5[%get3A_182] {strides = array<i32>} : memref<16384xi32, #tpu.memory_space<vmem>>, vector<16xi32>,
        %add3A_184 = arith.constant 4096 : i32
        %add3A_185 = arith.addi %add3A_184, %mul3A_94 : i32
        %add3A_186 = arith.constant 240 : i32
        %add3A_187 = arith.addi %add3A_185, %add3A_186 : i32
        %get3A_188 = arith.index_cast %add3A_187 : i32 to index
        %get3A_189 = tpu.vector_load %arg5[%get3A_188] {strides = array<i32>} : memref<16384xi32, #tpu.memory_space<vmem>>, vector<16xi32>,
        %gather3A = tpu.vector_load_idx %arg6[%get3A_99] : memref<100000xf32, #tpu.memory_space<vmem>>[vector<16xi32>], vector<16xf32>,
        %gather3A_190 = tpu.vector_load_idx %arg6[%get3A_105] : memref<100000xf32, #tpu.memory_space<vmem>>[vector<16xi32>], vector<16xf32>,
        %gather3A_191 = tpu.vector_load_idx %arg6[%get3A_111] : memref<100000xf32, #tpu.memory_space<vmem>>[vector<16xi32>], vector<16xf32>,
        %gather3A_192 = tpu.vector_load_idx %arg6[%get3A_117] : memref<100000xf32, #tpu.memory_space<vmem>>[vector<16xi32>], vector<16xf32>,
        %gather3A_193 = tpu.vector_load_idx %arg6[%get3A_123] : memref<100000xf32, #tpu.memory_space<vmem>>[vector<16xi32>], vector<16xf32>,
        %gather3A_194 = tpu.vector_load_idx %arg6[%get3A_129] : memref<100000xf32, #tpu.memory_space<vmem>>[vector<16xi32>], vector<16xf32>,
        %gather3A_195 = tpu.vector_load_idx %arg6[%get3A_135] : memref<100000xf32, #tpu.memory_space<vmem>>[vector<16xi32>], vector<16xf32>,
        %gather3A_196 = tpu.vector_load_idx %arg6[%get3A_141] : memref<100000xf32, #tpu.memory_space<vmem>>[vector<16xi32>], vector<16xf32>,
        %gather3A_197 = tpu.vector_load_idx %arg6[%get3A_147] : memref<100000xf32, #tpu.memory_space<vmem>>[vector<16xi32>], vector<16xf32>,
        %gather3A_198 = tpu.vector_load_idx %arg6[%get3A_153] : memref<100000xf32, #tpu.memory_space<vmem>>[vector<16xi32>], vector<16xf32>,
        %gather3A_199 = tpu.vector_load_idx %arg6[%get3A_159] : memref<100000xf32, #tpu.memory_space<vmem>>[vector<16xi32>], vector<16xf32>,
        %gather3A_200 = tpu.vector_load_idx %arg6[%get3A_165] : memref<100000xf32, #tpu.memory_space<vmem>>[vector<16xi32>], vector<16xf32>,
        %gather3A_201 = tpu.vector_load_idx %arg6[%get3A_171] : memref<100000xf32, #tpu.memory_space<vmem>>[vector<16xi32>], vector<16xf32>,
        %gather3A_202 = tpu.vector_load_idx %arg6[%get3A_177] : memref<100000xf32, #tpu.memory_space<vmem>>[vector<16xi32>], vector<16xf32>,
        %gather3A_203 = tpu.vector_load_idx %arg6[%get3A_183] : memref<100000xf32, #tpu.memory_space<vmem>>[vector<16xi32>], vector<16xf32>,
        %gather3A_204 = tpu.vector_load_idx %arg6[%get3A_189] : memref<100000xf32, #tpu.memory_space<vmem>>[vector<16xi32>], vector<16xf32>,
        %add3A_205 = arith.constant 0 : i32
        %add3A_206 = arith.addi %mul3A_94, %add3A_205 : i32
        %swap3A = arith.index_cast %add3A_206 : i32 to index
        %swap3A_207 = tpu.vector_load %arg8[%swap3A] {strides = array<i32>} : memref<4096xf32, #tpu.memory_space<vmem>>, vector<16xf32>,
        tpu.vector_store %arg8[%swap3A], %gather3A {strides = array<i32>} : memref<4096xf32, #tpu.memory_space<vmem>>, vector<16xf32>,
        %add3A_208 = arith.constant 16 : i32
        %add3A_209 = arith.addi %mul3A_94, %add3A_208 : i32
        %swap3A_210 = arith.index_cast %add3A_209 : i32 to index
        %swap3A_211 = tpu.vector_load %arg8[%swap3A_210] {strides = array<i32>} : memref<4096xf32, #tpu.memory_space<vmem>>, vector<16xf32>,
        tpu.vector_store %arg8[%swap3A_210], %gather3A_190 {strides = array<i32>} : memref<4096xf32, #tpu.memory_space<vmem>>, vector<16xf32>,
        %add3A_212 = arith.constant 32 : i32
        %add3A_213 = arith.addi %mul3A_94, %add3A_212 : i32
        %swap3A_214 = arith.index_cast %add3A_213 : i32 to index
        %swap3A_215 = tpu.vector_load %arg8[%swap3A_214] {strides = array<i32>} : memref<4096xf32, #tpu.memory_space<vmem>>, vector<16xf32>,
        tpu.vector_store %arg8[%swap3A_214], %gather3A_191 {strides = array<i32>} : memref<4096xf32, #tpu.memory_space<vmem>>, vector<16xf32>,
        %add3A_216 = arith.constant 48 : i32
        %add3A_217 = arith.addi %mul3A_94, %add3A_216 : i32
        %swap3A_218 = arith.index_cast %add3A_217 : i32 to index
        %swap3A_219 = tpu.vector_load %arg8[%swap3A_218] {strides = array<i32>} : memref<4096xf32, #tpu.memory_space<vmem>>, vector<16xf32>,
        tpu.vector_store %arg8[%swap3A_218], %gather3A_192 {strides = array<i32>} : memref<4096xf32, #tpu.memory_space<vmem>>, vector<16xf32>,
        %add3A_220 = arith.constant 64 : i32
        %add3A_221 = arith.addi %mul3A_94, %add3A_220 : i32
        %swap3A_222 = arith.index_cast %add3A_221 : i32 to index
        %swap3A_223 = tpu.vector_load %arg8[%swap3A_222] {strides = array<i32>} : memref<4096xf32, #tpu.memory_space<vmem>>, vector<16xf32>,
        tpu.vector_store %arg8[%swap3A_222], %gather3A_193 {strides = array<i32>} : memref<4096xf32, #tpu.memory_space<vmem>>, vector<16xf32>,
        %add3A_224 = arith.constant 80 : i32
        %add3A_225 = arith.addi %mul3A_94, %add3A_224 : i32
        %swap3A_226 = arith.index_cast %add3A_225 : i32 to index
        %swap3A_227 = tpu.vector_load %arg8[%swap3A_226] {strides = array<i32>} : memref<4096xf32, #tpu.memory_space<vmem>>, vector<16xf32>,
        tpu.vector_store %arg8[%swap3A_226], %gather3A_194 {strides = array<i32>} : memref<4096xf32, #tpu.memory_space<vmem>>, vector<16xf32>,
        %add3A_228 = arith.constant 96 : i32
        %add3A_229 = arith.addi %mul3A_94, %add3A_228 : i32
        %swap3A_230 = arith.index_cast %add3A_229 : i32 to index
        %swap3A_231 = tpu.vector_load %arg8[%swap3A_230] {strides = array<i32>} : memref<4096xf32, #tpu.memory_space<vmem>>, vector<16xf32>,
        tpu.vector_store %arg8[%swap3A_230], %gather3A_195 {strides = array<i32>} : memref<4096xf32, #tpu.memory_space<vmem>>, vector<16xf32>,
        %add3A_232 = arith.constant 112 : i32
        %add3A_233 = arith.addi %mul3A_94, %add3A_232 : i32
        %swap3A_234 = arith.index_cast %add3A_233 : i32 to index
        %swap3A_235 = tpu.vector_load %arg8[%swap3A_234] {strides = array<i32>} : memref<4096xf32, #tpu.memory_space<vmem>>, vector<16xf32>,
        tpu.vector_store %arg8[%swap3A_234], %gather3A_196 {strides = array<i32>} : memref<4096xf32, #tpu.memory_space<vmem>>, vector<16xf32>,
        %add3A_236 = arith.constant 128 : i32
        %add3A_237 = arith.addi %mul3A_94, %add3A_236 : i32
        %swap3A_238 = arith.index_cast %add3A_237 : i32 to index
        %swap3A_239 = tpu.vector_load %arg8[%swap3A_238] {strides = array<i32>} : memref<4096xf32, #tpu.memory_space<vmem>>, vector<16xf32>,
        tpu.vector_store %arg8[%swap3A_238], %gather3A_197 {strides = array<i32>} : memref<4096xf32, #tpu.memory_space<vmem>>, vector<16xf32>,
        %add3A_240 = arith.constant 144 : i32
        %add3A_241 = arith.addi %mul3A_94, %add3A_240 : i32
        %swap3A_242 = arith.index_cast %add3A_241 : i32 to index
        %swap3A_243 = tpu.vector_load %arg8[%swap3A_242] {strides = array<i32>} : memref<4096xf32, #tpu.memory_space<vmem>>, vector<16xf32>,
        tpu.vector_store %arg8[%swap3A_242], %gather3A_198 {strides = array<i32>} : memref<4096xf32, #tpu.memory_space<vmem>>, vector<16xf32>,
        %add3A_244 = arith.constant 160 : i32
        %add3A_245 = arith.addi %mul3A_94, %add3A_244 : i32
        %swap3A_246 = arith.index_cast %add3A_245 : i32 to index
        %swap3A_247 = tpu.vector_load %arg8[%swap3A_246] {strides = array<i32>} : memref<4096xf32, #tpu.memory_space<vmem>>, vector<16xf32>,
        tpu.vector_store %arg8[%swap3A_246], %gather3A_199 {strides = array<i32>} : memref<4096xf32, #tpu.memory_space<vmem>>, vector<16xf32>,
        %add3A_248 = arith.constant 176 : i32
        %add3A_249 = arith.addi %mul3A_94, %add3A_248 : i32
        %swap3A_250 = arith.index_cast %add3A_249 : i32 to index
        %swap3A_251 = tpu.vector_load %arg8[%swap3A_250] {strides = array<i32>} : memref<4096xf32, #tpu.memory_space<vmem>>, vector<16xf32>,
        tpu.vector_store %arg8[%swap3A_250], %gather3A_200 {strides = array<i32>} : memref<4096xf32, #tpu.memory_space<vmem>>, vector<16xf32>,
        %add3A_252 = arith.constant 192 : i32
        %add3A_253 = arith.addi %mul3A_94, %add3A_252 : i32
        %swap3A_254 = arith.index_cast %add3A_253 : i32 to index
        %swap3A_255 = tpu.vector_load %arg8[%swap3A_254] {strides = array<i32>} : memref<4096xf32, #tpu.memory_space<vmem>>, vector<16xf32>,
        tpu.vector_store %arg8[%swap3A_254], %gather3A_201 {strides = array<i32>} : memref<4096xf32, #tpu.memory_space<vmem>>, vector<16xf32>,
        %add3A_256 = arith.constant 208 : i32
        %add3A_257 = arith.addi %mul3A_94, %add3A_256 : i32
        %swap3A_258 = arith.index_cast %add3A_257 : i32 to index
        %swap3A_259 = tpu.vector_load %arg8[%swap3A_258] {strides = array<i32>} : memref<4096xf32, #tpu.memory_space<vmem>>, vector<16xf32>,
        tpu.vector_store %arg8[%swap3A_258], %gather3A_202 {strides = array<i32>} : memref<4096xf32, #tpu.memory_space<vmem>>, vector<16xf32>,
        %add3A_260 = arith.constant 224 : i32
        %add3A_261 = arith.addi %mul3A_94, %add3A_260 : i32
        %swap3A_262 = arith.index_cast %add3A_261 : i32 to index
        %swap3A_263 = tpu.vector_load %arg8[%swap3A_262] {strides = array<i32>} : memref<4096xf32, #tpu.memory_space<vmem>>, vector<16xf32>,
        tpu.vector_store %arg8[%swap3A_262], %gather3A_203 {strides = array<i32>} : memref<4096xf32, #tpu.memory_space<vmem>>, vector<16xf32>,
        %add3A_264 = arith.constant 240 : i32
        %add3A_265 = arith.addi %mul3A_94, %add3A_264 : i32
        %swap3A_266 = arith.index_cast %add3A_265 : i32 to index
        %swap3A_267 = tpu.vector_load %arg8[%swap3A_266] {strides = array<i32>} : memref<4096xf32, #tpu.memory_space<vmem>>, vector<16xf32>,
        tpu.vector_store %arg8[%swap3A_266], %gather3A_204 {strides = array<i32>} : memref<4096xf32, #tpu.memory_space<vmem>>, vector<16xf32>,
        %scan3A_268 = arith.constant 1 : i32
        %scan3A_269 = arith.addi %scan3A_92, %scan3A_268 : i32
        %mul3A_270 = arith.constant 256 : i32
        %mul3A_271 = arith.muli %scan3A_269, %mul3A_270 : i32
        %add3A_272 = arith.constant 4096 : i32
        %add3A_273 = arith.addi %add3A_272, %mul3A_271 : i32
        %add3A_274 = arith.constant 0 : i32
        %add3A_275 = arith.addi %add3A_273, %add3A_274 : i32
        %get3A_276 = arith.index_cast %add3A_275 : i32 to index
        %get3A_277 = tpu.vector_load %arg5[%get3A_276] {strides = array<i32>} : memref<16384xi32, #tpu.memory_space<vmem>>, vector<16xi32>,
        %add3A_278 = arith.constant 4096 : i32
        %add3A_279 = arith.addi %add3A_278, %mul3A_271 : i32
        %add3A_280 = arith.constant 16 : i32
        %add3A_281 = arith.addi %add3A_279, %add3A_280 : i32
        %get3A_282 = arith.index_cast %add3A_281 : i32 to index
        %get3A_283 = tpu.vector_load %arg5[%get3A_282] {strides = array<i32>} : memref<16384xi32, #tpu.memory_space<vmem>>, vector<16xi32>,
        %add3A_284 = arith.constant 4096 : i32
        %add3A_285 = arith.addi %add3A_284, %mul3A_271 : i32
        %add3A_286 = arith.constant 32 : i32
        %add3A_287 = arith.addi %add3A_285, %add3A_286 : i32
        %get3A_288 = arith.index_cast %add3A_287 : i32 to index
        %get3A_289 = tpu.vector_load %arg5[%get3A_288] {strides = array<i32>} : memref<16384xi32, #tpu.memory_space<vmem>>, vector<16xi32>,
        %add3A_290 = arith.constant 4096 : i32
        %add3A_291 = arith.addi %add3A_290, %mul3A_271 : i32
        %add3A_292 = arith.constant 48 : i32
        %add3A_293 = arith.addi %add3A_291, %add3A_292 : i32
        %get3A_294 = arith.index_cast %add3A_293 : i32 to index
        %get3A_295 = tpu.vector_load %arg5[%get3A_294] {strides = array<i32>} : memref<16384xi32, #tpu.memory_space<vmem>>, vector<16xi32>,
        %add3A_296 = arith.constant 4096 : i32
        %add3A_297 = arith.addi %add3A_296, %mul3A_271 : i32
        %add3A_298 = arith.constant 64 : i32
        %add3A_299 = arith.addi %add3A_297, %add3A_298 : i32
        %get3A_300 = arith.index_cast %add3A_299 : i32 to index
        %get3A_301 = tpu.vector_load %arg5[%get3A_300] {strides = array<i32>} : memref<16384xi32, #tpu.memory_space<vmem>>, vector<16xi32>,
        %add3A_302 = arith.constant 4096 : i32
        %add3A_303 = arith.addi %add3A_302, %mul3A_271 : i32
        %add3A_304 = arith.constant 80 : i32
        %add3A_305 = arith.addi %add3A_303, %add3A_304 : i32
        %get3A_306 = arith.index_cast %add3A_305 : i32 to index
        %get3A_307 = tpu.vector_load %arg5[%get3A_306] {strides = array<i32>} : memref<16384xi32, #tpu.memory_space<vmem>>, vector<16xi32>,
        %add3A_308 = arith.constant 4096 : i32
        %add3A_309 = arith.addi %add3A_308, %mul3A_271 : i32
        %add3A_310 = arith.constant 96 : i32
        %add3A_311 = arith.addi %add3A_309, %add3A_310 : i32
        %get3A_312 = arith.index_cast %add3A_311 : i32 to index
        %get3A_313 = tpu.vector_load %arg5[%get3A_312] {strides = array<i32>} : memref<16384xi32, #tpu.memory_space<vmem>>, vector<16xi32>,
        %add3A_314 = arith.constant 4096 : i32
        %add3A_315 = arith.addi %add3A_314, %mul3A_271 : i32
        %add3A_316 = arith.constant 112 : i32
        %add3A_317 = arith.addi %add3A_315, %add3A_316 : i32
        %get3A_318 = arith.index_cast %add3A_317 : i32 to index
        %get3A_319 = tpu.vector_load %arg5[%get3A_318] {strides = array<i32>} : memref<16384xi32, #tpu.memory_space<vmem>>, vector<16xi32>,
        %add3A_320 = arith.constant 4096 : i32
        %add3A_321 = arith.addi %add3A_320, %mul3A_271 : i32
        %add3A_322 = arith.constant 128 : i32
        %add3A_323 = arith.addi %add3A_321, %add3A_322 : i32
        %get3A_324 = arith.index_cast %add3A_323 : i32 to index
        %get3A_325 = tpu.vector_load %arg5[%get3A_324] {strides = array<i32>} : memref<16384xi32, #tpu.memory_space<vmem>>, vector<16xi32>,
        %add3A_326 = arith.constant 4096 : i32
        %add3A_327 = arith.addi %add3A_326, %mul3A_271 : i32
        %add3A_328 = arith.constant 144 : i32
        %add3A_329 = arith.addi %add3A_327, %add3A_328 : i32
        %get3A_330 = arith.index_cast %add3A_329 : i32 to index
        %get3A_331 = tpu.vector_load %arg5[%get3A_330] {strides = array<i32>} : memref<16384xi32, #tpu.memory_space<vmem>>, vector<16xi32>,
        %add3A_332 = arith.constant 4096 : i32
        %add3A_333 = arith.addi %add3A_332, %mul3A_271 : i32
        %add3A_334 = arith.constant 160 : i32
        %add3A_335 = arith.addi %add3A_333, %add3A_334 : i32
        %get3A_336 = arith.index_cast %add3A_335 : i32 to index
        %get3A_337 = tpu.vector_load %arg5[%get3A_336] {strides = array<i32>} : memref<16384xi32, #tpu.memory_space<vmem>>, vector<16xi32>,
        %add3A_338 = arith.constant 4096 : i32
        %add3A_339 = arith.addi %add3A_338, %mul3A_271 : i32
        %add3A_340 = arith.constant 176 : i32
        %add3A_341 = arith.addi %add3A_339, %add3A_340 : i32
        %get3A_342 = arith.index_cast %add3A_341 : i32 to index
        %get3A_343 = tpu.vector_load %arg5[%get3A_342] {strides = array<i32>} : memref<16384xi32, #tpu.memory_space<vmem>>, vector<16xi32>,
        %add3A_344 = arith.constant 4096 : i32
        %add3A_345 = arith.addi %add3A_344, %mul3A_271 : i32
        %add3A_346 = arith.constant 192 : i32
        %add3A_347 = arith.addi %add3A_345, %add3A_346 : i32
        %get3A_348 = arith.index_cast %add3A_347 : i32 to index
        %get3A_349 = tpu.vector_load %arg5[%get3A_348] {strides = array<i32>} : memref<16384xi32, #tpu.memory_space<vmem>>, vector<16xi32>,
        %add3A_350 = arith.constant 4096 : i32
        %add3A_351 = arith.addi %add3A_350, %mul3A_271 : i32
        %add3A_352 = arith.constant 208 : i32
        %add3A_353 = arith.addi %add3A_351, %add3A_352 : i32
        %get3A_354 = arith.index_cast %add3A_353 : i32 to index
        %get3A_355 = tpu.vector_load %arg5[%get3A_354] {strides = array<i32>} : memref<16384xi32, #tpu.memory_space<vmem>>, vector<16xi32>,
        %add3A_356 = arith.constant 4096 : i32
        %add3A_357 = arith.addi %add3A_356, %mul3A_271 : i32
        %add3A_358 = arith.constant 224 : i32
        %add3A_359 = arith.addi %add3A_357, %add3A_358 : i32
        %get3A_360 = arith.index_cast %add3A_359 : i32 to index
        %get3A_361 = tpu.vector_load %arg5[%get3A_360] {strides = array<i32>} : memref<16384xi32, #tpu.memory_space<vmem>>, vector<16xi32>,
        %add3A_362 = arith.constant 4096 : i32
        %add3A_363 = arith.addi %add3A_362, %mul3A_271 : i32
        %add3A_364 = arith.constant 240 : i32
        %add3A_365 = arith.addi %add3A_363, %add3A_364 : i32
        %get3A_366 = arith.index_cast %add3A_365 : i32 to index
        %get3A_367 = tpu.vector_load %arg5[%get3A_366] {strides = array<i32>} : memref<16384xi32, #tpu.memory_space<vmem>>, vector<16xi32>,
        %gather3A_368 = tpu.vector_load_idx %arg6[%get3A_277] : memref<100000xf32, #tpu.memory_space<vmem>>[vector<16xi32>], vector<16xf32>,
        %gather3A_369 = tpu.vector_load_idx %arg6[%get3A_283] : memref<100000xf32, #tpu.memory_space<vmem>>[vector<16xi32>], vector<16xf32>,
        %gather3A_370 = tpu.vector_load_idx %arg6[%get3A_289] : memref<100000xf32, #tpu.memory_space<vmem>>[vector<16xi32>], vector<16xf32>,
        %gather3A_371 = tpu.vector_load_idx %arg6[%get3A_295] : memref<100000xf32, #tpu.memory_space<vmem>>[vector<16xi32>], vector<16xf32>,
        %gather3A_372 = tpu.vector_load_idx %arg6[%get3A_301] : memref<100000xf32, #tpu.memory_space<vmem>>[vector<16xi32>], vector<16xf32>,
        %gather3A_373 = tpu.vector_load_idx %arg6[%get3A_307] : memref<100000xf32, #tpu.memory_space<vmem>>[vector<16xi32>], vector<16xf32>,
        %gather3A_374 = tpu.vector_load_idx %arg6[%get3A_313] : memref<100000xf32, #tpu.memory_space<vmem>>[vector<16xi32>], vector<16xf32>,
        %gather3A_375 = tpu.vector_load_idx %arg6[%get3A_319] : memref<100000xf32, #tpu.memory_space<vmem>>[vector<16xi32>], vector<16xf32>,
        %gather3A_376 = tpu.vector_load_idx %arg6[%get3A_325] : memref<100000xf32, #tpu.memory_space<vmem>>[vector<16xi32>], vector<16xf32>,
        %gather3A_377 = tpu.vector_load_idx %arg6[%get3A_331] : memref<100000xf32, #tpu.memory_space<vmem>>[vector<16xi32>], vector<16xf32>,
        %gather3A_378 = tpu.vector_load_idx %arg6[%get3A_337] : memref<100000xf32, #tpu.memory_space<vmem>>[vector<16xi32>], vector<16xf32>,
        %gather3A_379 = tpu.vector_load_idx %arg6[%get3A_343] : memref<100000xf32, #tpu.memory_space<vmem>>[vector<16xi32>], vector<16xf32>,
        %gather3A_380 = tpu.vector_load_idx %arg6[%get3A_349] : memref<100000xf32, #tpu.memory_space<vmem>>[vector<16xi32>], vector<16xf32>,
        %gather3A_381 = tpu.vector_load_idx %arg6[%get3A_355] : memref<100000xf32, #tpu.memory_space<vmem>>[vector<16xi32>], vector<16xf32>,
        %gather3A_382 = tpu.vector_load_idx %arg6[%get3A_361] : memref<100000xf32, #tpu.memory_space<vmem>>[vector<16xi32>], vector<16xf32>,
        %gather3A_383 = tpu.vector_load_idx %arg6[%get3A_367] : memref<100000xf32, #tpu.memory_space<vmem>>[vector<16xi32>], vector<16xf32>,
        %add3A_384 = arith.constant 0 : i32
        %add3A_385 = arith.addi %mul3A_271, %add3A_384 : i32
        %swap3A_386 = arith.index_cast %add3A_385 : i32 to index
        %swap3A_387 = tpu.vector_load %arg8[%swap3A_386] {strides = array<i32>} : memref<4096xf32, #tpu.memory_space<vmem>>, vector<16xf32>,
        tpu.vector_store %arg8[%swap3A_386], %gather3A_368 {strides = array<i32>} : memref<4096xf32, #tpu.memory_space<vmem>>, vector<16xf32>,
        %add3A_388 = arith.constant 16 : i32
        %add3A_389 = arith.addi %mul3A_271, %add3A_388 : i32
        %swap3A_390 = arith.index_cast %add3A_389 : i32 to index
        %swap3A_391 = tpu.vector_load %arg8[%swap3A_390] {strides = array<i32>} : memref<4096xf32, #tpu.memory_space<vmem>>, vector<16xf32>,
        tpu.vector_store %arg8[%swap3A_390], %gather3A_369 {strides = array<i32>} : memref<4096xf32, #tpu.memory_space<vmem>>, vector<16xf32>,
        %add3A_392 = arith.constant 32 : i32
        %add3A_393 = arith.addi %mul3A_271, %add3A_392 : i32
        %swap3A_394 = arith.index_cast %add3A_393 : i32 to index
        %swap3A_395 = tpu.vector_load %arg8[%swap3A_394] {strides = array<i32>} : memref<4096xf32, #tpu.memory_space<vmem>>, vector<16xf32>,
        tpu.vector_store %arg8[%swap3A_394], %gather3A_370 {strides = array<i32>} : memref<4096xf32, #tpu.memory_space<vmem>>, vector<16xf32>,
        %add3A_396 = arith.constant 48 : i32
        %add3A_397 = arith.addi %mul3A_271, %add3A_396 : i32
        %swap3A_398 = arith.index_cast %add3A_397 : i32 to index
        %swap3A_399 = tpu.vector_load %arg8[%swap3A_398] {strides = array<i32>} : memref<4096xf32, #tpu.memory_space<vmem>>, vector<16xf32>,
        tpu.vector_store %arg8[%swap3A_398], %gather3A_371 {strides = array<i32>} : memref<4096xf32, #tpu.memory_space<vmem>>, vector<16xf32>,
        %add3A_400 = arith.constant 64 : i32
        %add3A_401 = arith.addi %mul3A_271, %add3A_400 : i32
        %swap3A_402 = arith.index_cast %add3A_401 : i32 to index
        %swap3A_403 = tpu.vector_load %arg8[%swap3A_402] {strides = array<i32>} : memref<4096xf32, #tpu.memory_space<vmem>>, vector<16xf32>,
        tpu.vector_store %arg8[%swap3A_402], %gather3A_372 {strides = array<i32>} : memref<4096xf32, #tpu.memory_space<vmem>>, vector<16xf32>,
        %add3A_404 = arith.constant 80 : i32
        %add3A_405 = arith.addi %mul3A_271, %add3A_404 : i32
        %swap3A_406 = arith.index_cast %add3A_405 : i32 to index
        %swap3A_407 = tpu.vector_load %arg8[%swap3A_406] {strides = array<i32>} : memref<4096xf32, #tpu.memory_space<vmem>>, vector<16xf32>,
        tpu.vector_store %arg8[%swap3A_406], %gather3A_373 {strides = array<i32>} : memref<4096xf32, #tpu.memory_space<vmem>>, vector<16xf32>,
        %add3A_408 = arith.constant 96 : i32
        %add3A_409 = arith.addi %mul3A_271, %add3A_408 : i32
        %swap3A_410 = arith.index_cast %add3A_409 : i32 to index
        %swap3A_411 = tpu.vector_load %arg8[%swap3A_410] {strides = array<i32>} : memref<4096xf32, #tpu.memory_space<vmem>>, vector<16xf32>,
        tpu.vector_store %arg8[%swap3A_410], %gather3A_374 {strides = array<i32>} : memref<4096xf32, #tpu.memory_space<vmem>>, vector<16xf32>,
        %add3A_412 = arith.constant 112 : i32
        %add3A_413 = arith.addi %mul3A_271, %add3A_412 : i32
        %swap3A_414 = arith.index_cast %add3A_413 : i32 to index
        %swap3A_415 = tpu.vector_load %arg8[%swap3A_414] {strides = array<i32>} : memref<4096xf32, #tpu.memory_space<vmem>>, vector<16xf32>,
        tpu.vector_store %arg8[%swap3A_414], %gather3A_375 {strides = array<i32>} : memref<4096xf32, #tpu.memory_space<vmem>>, vector<16xf32>,
        %add3A_416 = arith.constant 128 : i32
        %add3A_417 = arith.addi %mul3A_271, %add3A_416 : i32
        %swap3A_418 = arith.index_cast %add3A_417 : i32 to index
        %swap3A_419 = tpu.vector_load %arg8[%swap3A_418] {strides = array<i32>} : memref<4096xf32, #tpu.memory_space<vmem>>, vector<16xf32>,
        tpu.vector_store %arg8[%swap3A_418], %gather3A_376 {strides = array<i32>} : memref<4096xf32, #tpu.memory_space<vmem>>, vector<16xf32>,
        %add3A_420 = arith.constant 144 : i32
        %add3A_421 = arith.addi %mul3A_271, %add3A_420 : i32
        %swap3A_422 = arith.index_cast %add3A_421 : i32 to index
        %swap3A_423 = tpu.vector_load %arg8[%swap3A_422] {strides = array<i32>} : memref<4096xf32, #tpu.memory_space<vmem>>, vector<16xf32>,
        tpu.vector_store %arg8[%swap3A_422], %gather3A_377 {strides = array<i32>} : memref<4096xf32, #tpu.memory_space<vmem>>, vector<16xf32>,
        %add3A_424 = arith.constant 160 : i32
        %add3A_425 = arith.addi %mul3A_271, %add3A_424 : i32
        %swap3A_426 = arith.index_cast %add3A_425 : i32 to index
        %swap3A_427 = tpu.vector_load %arg8[%swap3A_426] {strides = array<i32>} : memref<4096xf32, #tpu.memory_space<vmem>>, vector<16xf32>,
        tpu.vector_store %arg8[%swap3A_426], %gather3A_378 {strides = array<i32>} : memref<4096xf32, #tpu.memory_space<vmem>>, vector<16xf32>,
        %add3A_428 = arith.constant 176 : i32
        %add3A_429 = arith.addi %mul3A_271, %add3A_428 : i32
        %swap3A_430 = arith.index_cast %add3A_429 : i32 to index
        %swap3A_431 = tpu.vector_load %arg8[%swap3A_430] {strides = array<i32>} : memref<4096xf32, #tpu.memory_space<vmem>>, vector<16xf32>,
        tpu.vector_store %arg8[%swap3A_430], %gather3A_379 {strides = array<i32>} : memref<4096xf32, #tpu.memory_space<vmem>>, vector<16xf32>,
        %add3A_432 = arith.constant 192 : i32
        %add3A_433 = arith.addi %mul3A_271, %add3A_432 : i32
        %swap3A_434 = arith.index_cast %add3A_433 : i32 to index
        %swap3A_435 = tpu.vector_load %arg8[%swap3A_434] {strides = array<i32>} : memref<4096xf32, #tpu.memory_space<vmem>>, vector<16xf32>,
        tpu.vector_store %arg8[%swap3A_434], %gather3A_380 {strides = array<i32>} : memref<4096xf32, #tpu.memory_space<vmem>>, vector<16xf32>,
        %add3A_436 = arith.constant 208 : i32
        %add3A_437 = arith.addi %mul3A_271, %add3A_436 : i32
        %swap3A_438 = arith.index_cast %add3A_437 : i32 to index
        %swap3A_439 = tpu.vector_load %arg8[%swap3A_438] {strides = array<i32>} : memref<4096xf32, #tpu.memory_space<vmem>>, vector<16xf32>,
        tpu.vector_store %arg8[%swap3A_438], %gather3A_381 {strides = array<i32>} : memref<4096xf32, #tpu.memory_space<vmem>>, vector<16xf32>,
        %add3A_440 = arith.constant 224 : i32
        %add3A_441 = arith.addi %mul3A_271, %add3A_440 : i32
        %swap3A_442 = arith.index_cast %add3A_441 : i32 to index
        %swap3A_443 = tpu.vector_load %arg8[%swap3A_442] {strides = array<i32>} : memref<4096xf32, #tpu.memory_space<vmem>>, vector<16xf32>,
        tpu.vector_store %arg8[%swap3A_442], %gather3A_382 {strides = array<i32>} : memref<4096xf32, #tpu.memory_space<vmem>>, vector<16xf32>,
        %add3A_444 = arith.constant 240 : i32
        %add3A_445 = arith.addi %mul3A_271, %add3A_444 : i32
        %swap3A_446 = arith.index_cast %add3A_445 : i32 to index
        %swap3A_447 = tpu.vector_load %arg8[%swap3A_446] {strides = array<i32>} : memref<4096xf32, #tpu.memory_space<vmem>>, vector<16xf32>,
        tpu.vector_store %arg8[%swap3A_446], %gather3A_383 {strides = array<i32>} : memref<4096xf32, #tpu.memory_space<vmem>>, vector<16xf32>,
      }
      %scan3A_39 = arith.constant 16 : i32
      %dma_start3A_40 = arith.constant 4096 : i32
      %dma_start3A_41 = tpu.memref_slice %arg4[%rem3A_7, %add3A, %dma_start3A_40] : memref<26x32x16384xf32, #tpu.memory_space<hbm>> -> memref<1x1x4096xf32, #tpu.memory_space<hbm>>
      %dma_start3A_42 = tpu.memref_squeeze %dma_start3A_41 : memref<1x1x4096xf32, #tpu.memory_space<hbm>> -> memref<4096xf32, #tpu.memory_space<hbm>>
      %dma_start3A_43 = arith.constant 4096 : i32
      %dma_start3A_44 = tpu.memref_slice %arg4[%rem3A_7, %add3A, %dma_start3A_43] : memref<26x32x16384xf32, #tpu.memory_space<hbm>> -> memref<1x1x4096xf32, #tpu.memory_space<hbm>>
      %dma_start3A_45 = tpu.memref_squeeze %dma_start3A_44 : memref<1x1x4096xf32, #tpu.memory_space<hbm>> -> memref<4096xf32, #tpu.memory_space<hbm>>
      tpu.enqueue_dma source(%arg8 : memref<4096xf32, #tpu.memory_space<vmem>>) target(%dma_start3A_45 : memref<4096xf32, #tpu.memory_space<hbm>>) target_semaphore(%arg11 : memref<!tpu.dma_semaphore, #tpu.memory_space<semaphore_mem>>)
      %dma_wait3A_46 = arith.constant 0 : i32
      %dma_wait3A_47 = tpu.memref_slice %arg4[%rem3A_7, %add3A, %dma_wait3A_46] : memref<26x32x16384xf32, #tpu.memory_space<hbm>> -> memref<1x1x4096xf32, #tpu.memory_space<hbm>>
      %dma_wait3A_48 = tpu.memref_squeeze %dma_wait3A_47 : memref<1x1x4096xf32, #tpu.memory_space<hbm>> -> memref<4096xf32, #tpu.memory_space<hbm>>
      %dma_wait3A_49 = arith.constant 0 : i32
      %dma_wait3A_50 = tpu.memref_slice %arg4[%rem3A_7, %add3A, %dma_wait3A_49] : memref<26x32x16384xf32, #tpu.memory_space<hbm>> -> memref<1x1x4096xf32, #tpu.memory_space<hbm>>
      %dma_wait3A_51 = tpu.memref_squeeze %dma_wait3A_50 : memref<1x1x4096xf32, #tpu.memory_space<hbm>> -> memref<4096xf32, #tpu.memory_space<hbm>>
      tpu.wait_dma2 semaphore(%arg11 : memref<!tpu.dma_semaphore, #tpu.memory_space<semaphore_mem>>) src(%arg7 : memref<4096xf32, #tpu.memory_space<vmem>>) dst(%dma_wait3A_51 : memref<4096xf32, #tpu.memory_space<hbm>>)
      %scan3A_52 = arith.constant 0 : i32
      %scan3A_53 = arith.constant 16 : i32
      %scan3A_54 = arith.addi %scan3A_52, %scan3A_53 : i32
      %scan3A_55 = arith.constant 2 : i32
      scf.for %scan3A_92 = %scan3A_52 to %scan3A_54 step %scan3A_55  : i32 {
        %mul3A_93 = arith.constant 256 : i32
        %mul3A_94 = arith.muli %scan3A_92, %mul3A_93 : i32
        %add3A_95 = arith.constant 8192 : i32
        %add3A_96 = arith.addi %add3A_95, %mul3A_94 : i32
        %add3A_97 = arith.constant 0 : i32
        %add3A_98 = arith.addi %add3A_96, %add3A_97 : i32
        %get3A = arith.index_cast %add3A_98 : i32 to index
        %get3A_99 = tpu.vector_load %arg5[%get3A] {strides = array<i32>} : memref<16384xi32, #tpu.memory_space<vmem>>, vector<16xi32>,
        %add3A_100 = arith.constant 8192 : i32
        %add3A_101 = arith.addi %add3A_100, %mul3A_94 : i32
        %add3A_102 = arith.constant 16 : i32
        %add3A_103 = arith.addi %add3A_101, %add3A_102 : i32
        %get3A_104 = arith.index_cast %add3A_103 : i32 to index
        %get3A_105 = tpu.vector_load %arg5[%get3A_104] {strides = array<i32>} : memref<16384xi32, #tpu.memory_space<vmem>>, vector<16xi32>,
        %add3A_106 = arith.constant 8192 : i32
        %add3A_107 = arith.addi %add3A_106, %mul3A_94 : i32
        %add3A_108 = arith.constant 32 : i32
        %add3A_109 = arith.addi %add3A_107, %add3A_108 : i32
        %get3A_110 = arith.index_cast %add3A_109 : i32 to index
        %get3A_111 = tpu.vector_load %arg5[%get3A_110] {strides = array<i32>} : memref<16384xi32, #tpu.memory_space<vmem>>, vector<16xi32>,
        %add3A_112 = arith.constant 8192 : i32
        %add3A_113 = arith.addi %add3A_112, %mul3A_94 : i32
        %add3A_114 = arith.constant 48 : i32
        %add3A_115 = arith.addi %add3A_113, %add3A_114 : i32
        %get3A_116 = arith.index_cast %add3A_115 : i32 to index
        %get3A_117 = tpu.vector_load %arg5[%get3A_116] {strides = array<i32>} : memref<16384xi32, #tpu.memory_space<vmem>>, vector<16xi32>,
        %add3A_118 = arith.constant 8192 : i32
        %add3A_119 = arith.addi %add3A_118, %mul3A_94 : i32
        %add3A_120 = arith.constant 64 : i32
        %add3A_121 = arith.addi %add3A_119, %add3A_120 : i32
        %get3A_122 = arith.index_cast %add3A_121 : i32 to index
        %get3A_123 = tpu.vector_load %arg5[%get3A_122] {strides = array<i32>} : memref<16384xi32, #tpu.memory_space<vmem>>, vector<16xi32>,
        %add3A_124 = arith.constant 8192 : i32
        %add3A_125 = arith.addi %add3A_124, %mul3A_94 : i32
        %add3A_126 = arith.constant 80 : i32
        %add3A_127 = arith.addi %add3A_125, %add3A_126 : i32
        %get3A_128 = arith.index_cast %add3A_127 : i32 to index
        %get3A_129 = tpu.vector_load %arg5[%get3A_128] {strides = array<i32>} : memref<16384xi32, #tpu.memory_space<vmem>>, vector<16xi32>,
        %add3A_130 = arith.constant 8192 : i32
        %add3A_131 = arith.addi %add3A_130, %mul3A_94 : i32
        %add3A_132 = arith.constant 96 : i32
        %add3A_133 = arith.addi %add3A_131, %add3A_132 : i32
        %get3A_134 = arith.index_cast %add3A_133 : i32 to index
        %get3A_135 = tpu.vector_load %arg5[%get3A_134] {strides = array<i32>} : memref<16384xi32, #tpu.memory_space<vmem>>, vector<16xi32>,
        %add3A_136 = arith.constant 8192 : i32
        %add3A_137 = arith.addi %add3A_136, %mul3A_94 : i32
        %add3A_138 = arith.constant 112 : i32
        %add3A_139 = arith.addi %add3A_137, %add3A_138 : i32
        %get3A_140 = arith.index_cast %add3A_139 : i32 to index
        %get3A_141 = tpu.vector_load %arg5[%get3A_140] {strides = array<i32>} : memref<16384xi32, #tpu.memory_space<vmem>>, vector<16xi32>,
        %add3A_142 = arith.constant 8192 : i32
        %add3A_143 = arith.addi %add3A_142, %mul3A_94 : i32
        %add3A_144 = arith.constant 128 : i32
        %add3A_145 = arith.addi %add3A_143, %add3A_144 : i32
        %get3A_146 = arith.index_cast %add3A_145 : i32 to index
        %get3A_147 = tpu.vector_load %arg5[%get3A_146] {strides = array<i32>} : memref<16384xi32, #tpu.memory_space<vmem>>, vector<16xi32>,
        %add3A_148 = arith.constant 8192 : i32
        %add3A_149 = arith.addi %add3A_148, %mul3A_94 : i32
        %add3A_150 = arith.constant 144 : i32
        %add3A_151 = arith.addi %add3A_149, %add3A_150 : i32
        %get3A_152 = arith.index_cast %add3A_151 : i32 to index
        %get3A_153 = tpu.vector_load %arg5[%get3A_152] {strides = array<i32>} : memref<16384xi32, #tpu.memory_space<vmem>>, vector<16xi32>,
        %add3A_154 = arith.constant 8192 : i32
        %add3A_155 = arith.addi %add3A_154, %mul3A_94 : i32
        %add3A_156 = arith.constant 160 : i32
        %add3A_157 = arith.addi %add3A_155, %add3A_156 : i32
        %get3A_158 = arith.index_cast %add3A_157 : i32 to index
        %get3A_159 = tpu.vector_load %arg5[%get3A_158] {strides = array<i32>} : memref<16384xi32, #tpu.memory_space<vmem>>, vector<16xi32>,
        %add3A_160 = arith.constant 8192 : i32
        %add3A_161 = arith.addi %add3A_160, %mul3A_94 : i32
        %add3A_162 = arith.constant 176 : i32
        %add3A_163 = arith.addi %add3A_161, %add3A_162 : i32
        %get3A_164 = arith.index_cast %add3A_163 : i32 to index
        %get3A_165 = tpu.vector_load %arg5[%get3A_164] {strides = array<i32>} : memref<16384xi32, #tpu.memory_space<vmem>>, vector<16xi32>,
        %add3A_166 = arith.constant 8192 : i32
        %add3A_167 = arith.addi %add3A_166, %mul3A_94 : i32
        %add3A_168 = arith.constant 192 : i32
        %add3A_169 = arith.addi %add3A_167, %add3A_168 : i32
        %get3A_170 = arith.index_cast %add3A_169 : i32 to index
        %get3A_171 = tpu.vector_load %arg5[%get3A_170] {strides = array<i32>} : memref<16384xi32, #tpu.memory_space<vmem>>, vector<16xi32>,
        %add3A_172 = arith.constant 8192 : i32
        %add3A_173 = arith.addi %add3A_172, %mul3A_94 : i32
        %add3A_174 = arith.constant 208 : i32
        %add3A_175 = arith.addi %add3A_173, %add3A_174 : i32
        %get3A_176 = arith.index_cast %add3A_175 : i32 to index
        %get3A_177 = tpu.vector_load %arg5[%get3A_176] {strides = array<i32>} : memref<16384xi32, #tpu.memory_space<vmem>>, vector<16xi32>,
        %add3A_178 = arith.constant 8192 : i32
        %add3A_179 = arith.addi %add3A_178, %mul3A_94 : i32
        %add3A_180 = arith.constant 224 : i32
        %add3A_181 = arith.addi %add3A_179, %add3A_180 : i32
        %get3A_182 = arith.index_cast %add3A_181 : i32 to index
        %get3A_183 = tpu.vector_load %arg5[%get3A_182] {strides = array<i32>} : memref<16384xi32, #tpu.memory_space<vmem>>, vector<16xi32>,
        %add3A_184 = arith.constant 8192 : i32
        %add3A_185 = arith.addi %add3A_184, %mul3A_94 : i32
        %add3A_186 = arith.constant 240 : i32
        %add3A_187 = arith.addi %add3A_185, %add3A_186 : i32
        %get3A_188 = arith.index_cast %add3A_187 : i32 to index
        %get3A_189 = tpu.vector_load %arg5[%get3A_188] {strides = array<i32>} : memref<16384xi32, #tpu.memory_space<vmem>>, vector<16xi32>,
        %gather3A = tpu.vector_load_idx %arg6[%get3A_99] : memref<100000xf32, #tpu.memory_space<vmem>>[vector<16xi32>], vector<16xf32>,
        %gather3A_190 = tpu.vector_load_idx %arg6[%get3A_105] : memref<100000xf32, #tpu.memory_space<vmem>>[vector<16xi32>], vector<16xf32>,
        %gather3A_191 = tpu.vector_load_idx %arg6[%get3A_111] : memref<100000xf32, #tpu.memory_space<vmem>>[vector<16xi32>], vector<16xf32>,
        %gather3A_192 = tpu.vector_load_idx %arg6[%get3A_117] : memref<100000xf32, #tpu.memory_space<vmem>>[vector<16xi32>], vector<16xf32>,
        %gather3A_193 = tpu.vector_load_idx %arg6[%get3A_123] : memref<100000xf32, #tpu.memory_space<vmem>>[vector<16xi32>], vector<16xf32>,
        %gather3A_194 = tpu.vector_load_idx %arg6[%get3A_129] : memref<100000xf32, #tpu.memory_space<vmem>>[vector<16xi32>], vector<16xf32>,
        %gather3A_195 = tpu.vector_load_idx %arg6[%get3A_135] : memref<100000xf32, #tpu.memory_space<vmem>>[vector<16xi32>], vector<16xf32>,
        %gather3A_196 = tpu.vector_load_idx %arg6[%get3A_141] : memref<100000xf32, #tpu.memory_space<vmem>>[vector<16xi32>], vector<16xf32>,
        %gather3A_197 = tpu.vector_load_idx %arg6[%get3A_147] : memref<100000xf32, #tpu.memory_space<vmem>>[vector<16xi32>], vector<16xf32>,
        %gather3A_198 = tpu.vector_load_idx %arg6[%get3A_153] : memref<100000xf32, #tpu.memory_space<vmem>>[vector<16xi32>], vector<16xf32>,
        %gather3A_199 = tpu.vector_load_idx %arg6[%get3A_159] : memref<100000xf32, #tpu.memory_space<vmem>>[vector<16xi32>], vector<16xf32>,
        %gather3A_200 = tpu.vector_load_idx %arg6[%get3A_165] : memref<100000xf32, #tpu.memory_space<vmem>>[vector<16xi32>], vector<16xf32>,
        %gather3A_201 = tpu.vector_load_idx %arg6[%get3A_171] : memref<100000xf32, #tpu.memory_space<vmem>>[vector<16xi32>], vector<16xf32>,
        %gather3A_202 = tpu.vector_load_idx %arg6[%get3A_177] : memref<100000xf32, #tpu.memory_space<vmem>>[vector<16xi32>], vector<16xf32>,
        %gather3A_203 = tpu.vector_load_idx %arg6[%get3A_183] : memref<100000xf32, #tpu.memory_space<vmem>>[vector<16xi32>], vector<16xf32>,
        %gather3A_204 = tpu.vector_load_idx %arg6[%get3A_189] : memref<100000xf32, #tpu.memory_space<vmem>>[vector<16xi32>], vector<16xf32>,
        %add3A_205 = arith.constant 0 : i32
        %add3A_206 = arith.addi %mul3A_94, %add3A_205 : i32
        %swap3A = arith.index_cast %add3A_206 : i32 to index
        %swap3A_207 = tpu.vector_load %arg7[%swap3A] {strides = array<i32>} : memref<4096xf32, #tpu.memory_space<vmem>>, vector<16xf32>,
        tpu.vector_store %arg7[%swap3A], %gather3A {strides = array<i32>} : memref<4096xf32, #tpu.memory_space<vmem>>, vector<16xf32>,
        %add3A_208 = arith.constant 16 : i32
        %add3A_209 = arith.addi %mul3A_94, %add3A_208 : i32
        %swap3A_210 = arith.index_cast %add3A_209 : i32 to index
        %swap3A_211 = tpu.vector_load %arg7[%swap3A_210] {strides = array<i32>} : memref<4096xf32, #tpu.memory_space<vmem>>, vector<16xf32>,
        tpu.vector_store %arg7[%swap3A_210], %gather3A_190 {strides = array<i32>} : memref<4096xf32, #tpu.memory_space<vmem>>, vector<16xf32>,
        %add3A_212 = arith.constant 32 : i32
        %add3A_213 = arith.addi %mul3A_94, %add3A_212 : i32
        %swap3A_214 = arith.index_cast %add3A_213 : i32 to index
        %swap3A_215 = tpu.vector_load %arg7[%swap3A_214] {strides = array<i32>} : memref<4096xf32, #tpu.memory_space<vmem>>, vector<16xf32>,
        tpu.vector_store %arg7[%swap3A_214], %gather3A_191 {strides = array<i32>} : memref<4096xf32, #tpu.memory_space<vmem>>, vector<16xf32>,
        %add3A_216 = arith.constant 48 : i32
        %add3A_217 = arith.addi %mul3A_94, %add3A_216 : i32
        %swap3A_218 = arith.index_cast %add3A_217 : i32 to index
        %swap3A_219 = tpu.vector_load %arg7[%swap3A_218] {strides = array<i32>} : memref<4096xf32, #tpu.memory_space<vmem>>, vector<16xf32>,
        tpu.vector_store %arg7[%swap3A_218], %gather3A_192 {strides = array<i32>} : memref<4096xf32, #tpu.memory_space<vmem>>, vector<16xf32>,
        %add3A_220 = arith.constant 64 : i32
        %add3A_221 = arith.addi %mul3A_94, %add3A_220 : i32
        %swap3A_222 = arith.index_cast %add3A_221 : i32 to index
        %swap3A_223 = tpu.vector_load %arg7[%swap3A_222] {strides = array<i32>} : memref<4096xf32, #tpu.memory_space<vmem>>, vector<16xf32>,
        tpu.vector_store %arg7[%swap3A_222], %gather3A_193 {strides = array<i32>} : memref<4096xf32, #tpu.memory_space<vmem>>, vector<16xf32>,
        %add3A_224 = arith.constant 80 : i32
        %add3A_225 = arith.addi %mul3A_94, %add3A_224 : i32
        %swap3A_226 = arith.index_cast %add3A_225 : i32 to index
        %swap3A_227 = tpu.vector_load %arg7[%swap3A_226] {strides = array<i32>} : memref<4096xf32, #tpu.memory_space<vmem>>, vector<16xf32>,
        tpu.vector_store %arg7[%swap3A_226], %gather3A_194 {strides = array<i32>} : memref<4096xf32, #tpu.memory_space<vmem>>, vector<16xf32>,
        %add3A_228 = arith.constant 96 : i32
        %add3A_229 = arith.addi %mul3A_94, %add3A_228 : i32
        %swap3A_230 = arith.index_cast %add3A_229 : i32 to index
        %swap3A_231 = tpu.vector_load %arg7[%swap3A_230] {strides = array<i32>} : memref<4096xf32, #tpu.memory_space<vmem>>, vector<16xf32>,
        tpu.vector_store %arg7[%swap3A_230], %gather3A_195 {strides = array<i32>} : memref<4096xf32, #tpu.memory_space<vmem>>, vector<16xf32>,
        %add3A_232 = arith.constant 112 : i32
        %add3A_233 = arith.addi %mul3A_94, %add3A_232 : i32
        %swap3A_234 = arith.index_cast %add3A_233 : i32 to index
        %swap3A_235 = tpu.vector_load %arg7[%swap3A_234] {strides = array<i32>} : memref<4096xf32, #tpu.memory_space<vmem>>, vector<16xf32>,
        tpu.vector_store %arg7[%swap3A_234], %gather3A_196 {strides = array<i32>} : memref<4096xf32, #tpu.memory_space<vmem>>, vector<16xf32>,
        %add3A_236 = arith.constant 128 : i32
        %add3A_237 = arith.addi %mul3A_94, %add3A_236 : i32
        %swap3A_238 = arith.index_cast %add3A_237 : i32 to index
        %swap3A_239 = tpu.vector_load %arg7[%swap3A_238] {strides = array<i32>} : memref<4096xf32, #tpu.memory_space<vmem>>, vector<16xf32>,
        tpu.vector_store %arg7[%swap3A_238], %gather3A_197 {strides = array<i32>} : memref<4096xf32, #tpu.memory_space<vmem>>, vector<16xf32>,
        %add3A_240 = arith.constant 144 : i32
        %add3A_241 = arith.addi %mul3A_94, %add3A_240 : i32
        %swap3A_242 = arith.index_cast %add3A_241 : i32 to index
        %swap3A_243 = tpu.vector_load %arg7[%swap3A_242] {strides = array<i32>} : memref<4096xf32, #tpu.memory_space<vmem>>, vector<16xf32>,
        tpu.vector_store %arg7[%swap3A_242], %gather3A_198 {strides = array<i32>} : memref<4096xf32, #tpu.memory_space<vmem>>, vector<16xf32>,
        %add3A_244 = arith.constant 160 : i32
        %add3A_245 = arith.addi %mul3A_94, %add3A_244 : i32
        %swap3A_246 = arith.index_cast %add3A_245 : i32 to index
        %swap3A_247 = tpu.vector_load %arg7[%swap3A_246] {strides = array<i32>} : memref<4096xf32, #tpu.memory_space<vmem>>, vector<16xf32>,
        tpu.vector_store %arg7[%swap3A_246], %gather3A_199 {strides = array<i32>} : memref<4096xf32, #tpu.memory_space<vmem>>, vector<16xf32>,
        %add3A_248 = arith.constant 176 : i32
        %add3A_249 = arith.addi %mul3A_94, %add3A_248 : i32
        %swap3A_250 = arith.index_cast %add3A_249 : i32 to index
        %swap3A_251 = tpu.vector_load %arg7[%swap3A_250] {strides = array<i32>} : memref<4096xf32, #tpu.memory_space<vmem>>, vector<16xf32>,
        tpu.vector_store %arg7[%swap3A_250], %gather3A_200 {strides = array<i32>} : memref<4096xf32, #tpu.memory_space<vmem>>, vector<16xf32>,
        %add3A_252 = arith.constant 192 : i32
        %add3A_253 = arith.addi %mul3A_94, %add3A_252 : i32
        %swap3A_254 = arith.index_cast %add3A_253 : i32 to index
        %swap3A_255 = tpu.vector_load %arg7[%swap3A_254] {strides = array<i32>} : memref<4096xf32, #tpu.memory_space<vmem>>, vector<16xf32>,
        tpu.vector_store %arg7[%swap3A_254], %gather3A_201 {strides = array<i32>} : memref<4096xf32, #tpu.memory_space<vmem>>, vector<16xf32>,
        %add3A_256 = arith.constant 208 : i32
        %add3A_257 = arith.addi %mul3A_94, %add3A_256 : i32
        %swap3A_258 = arith.index_cast %add3A_257 : i32 to index
        %swap3A_259 = tpu.vector_load %arg7[%swap3A_258] {strides = array<i32>} : memref<4096xf32, #tpu.memory_space<vmem>>, vector<16xf32>,
        tpu.vector_store %arg7[%swap3A_258], %gather3A_202 {strides = array<i32>} : memref<4096xf32, #tpu.memory_space<vmem>>, vector<16xf32>,
        %add3A_260 = arith.constant 224 : i32
        %add3A_261 = arith.addi %mul3A_94, %add3A_260 : i32
        %swap3A_262 = arith.index_cast %add3A_261 : i32 to index
        %swap3A_263 = tpu.vector_load %arg7[%swap3A_262] {strides = array<i32>} : memref<4096xf32, #tpu.memory_space<vmem>>, vector<16xf32>,
        tpu.vector_store %arg7[%swap3A_262], %gather3A_203 {strides = array<i32>} : memref<4096xf32, #tpu.memory_space<vmem>>, vector<16xf32>,
        %add3A_264 = arith.constant 240 : i32
        %add3A_265 = arith.addi %mul3A_94, %add3A_264 : i32
        %swap3A_266 = arith.index_cast %add3A_265 : i32 to index
        %swap3A_267 = tpu.vector_load %arg7[%swap3A_266] {strides = array<i32>} : memref<4096xf32, #tpu.memory_space<vmem>>, vector<16xf32>,
        tpu.vector_store %arg7[%swap3A_266], %gather3A_204 {strides = array<i32>} : memref<4096xf32, #tpu.memory_space<vmem>>, vector<16xf32>,
        %scan3A_268 = arith.constant 1 : i32
        %scan3A_269 = arith.addi %scan3A_92, %scan3A_268 : i32
        %mul3A_270 = arith.constant 256 : i32
        %mul3A_271 = arith.muli %scan3A_269, %mul3A_270 : i32
        %add3A_272 = arith.constant 8192 : i32
        %add3A_273 = arith.addi %add3A_272, %mul3A_271 : i32
        %add3A_274 = arith.constant 0 : i32
        %add3A_275 = arith.addi %add3A_273, %add3A_274 : i32
        %get3A_276 = arith.index_cast %add3A_275 : i32 to index
        %get3A_277 = tpu.vector_load %arg5[%get3A_276] {strides = array<i32>} : memref<16384xi32, #tpu.memory_space<vmem>>, vector<16xi32>,
        %add3A_278 = arith.constant 8192 : i32
        %add3A_279 = arith.addi %add3A_278, %mul3A_271 : i32
        %add3A_280 = arith.constant 16 : i32
        %add3A_281 = arith.addi %add3A_279, %add3A_280 : i32
        %get3A_282 = arith.index_cast %add3A_281 : i32 to index
        %get3A_283 = tpu.vector_load %arg5[%get3A_282] {strides = array<i32>} : memref<16384xi32, #tpu.memory_space<vmem>>, vector<16xi32>,
        %add3A_284 = arith.constant 8192 : i32
        %add3A_285 = arith.addi %add3A_284, %mul3A_271 : i32
        %add3A_286 = arith.constant 32 : i32
        %add3A_287 = arith.addi %add3A_285, %add3A_286 : i32
        %get3A_288 = arith.index_cast %add3A_287 : i32 to index
        %get3A_289 = tpu.vector_load %arg5[%get3A_288] {strides = array<i32>} : memref<16384xi32, #tpu.memory_space<vmem>>, vector<16xi32>,
        %add3A_290 = arith.constant 8192 : i32
        %add3A_291 = arith.addi %add3A_290, %mul3A_271 : i32
        %add3A_292 = arith.constant 48 : i32
        %add3A_293 = arith.addi %add3A_291, %add3A_292 : i32
        %get3A_294 = arith.index_cast %add3A_293 : i32 to index
        %get3A_295 = tpu.vector_load %arg5[%get3A_294] {strides = array<i32>} : memref<16384xi32, #tpu.memory_space<vmem>>, vector<16xi32>,
        %add3A_296 = arith.constant 8192 : i32
        %add3A_297 = arith.addi %add3A_296, %mul3A_271 : i32
        %add3A_298 = arith.constant 64 : i32
        %add3A_299 = arith.addi %add3A_297, %add3A_298 : i32
        %get3A_300 = arith.index_cast %add3A_299 : i32 to index
        %get3A_301 = tpu.vector_load %arg5[%get3A_300] {strides = array<i32>} : memref<16384xi32, #tpu.memory_space<vmem>>, vector<16xi32>,
        %add3A_302 = arith.constant 8192 : i32
        %add3A_303 = arith.addi %add3A_302, %mul3A_271 : i32
        %add3A_304 = arith.constant 80 : i32
        %add3A_305 = arith.addi %add3A_303, %add3A_304 : i32
        %get3A_306 = arith.index_cast %add3A_305 : i32 to index
        %get3A_307 = tpu.vector_load %arg5[%get3A_306] {strides = array<i32>} : memref<16384xi32, #tpu.memory_space<vmem>>, vector<16xi32>,
        %add3A_308 = arith.constant 8192 : i32
        %add3A_309 = arith.addi %add3A_308, %mul3A_271 : i32
        %add3A_310 = arith.constant 96 : i32
        %add3A_311 = arith.addi %add3A_309, %add3A_310 : i32
        %get3A_312 = arith.index_cast %add3A_311 : i32 to index
        %get3A_313 = tpu.vector_load %arg5[%get3A_312] {strides = array<i32>} : memref<16384xi32, #tpu.memory_space<vmem>>, vector<16xi32>,
        %add3A_314 = arith.constant 8192 : i32
        %add3A_315 = arith.addi %add3A_314, %mul3A_271 : i32
        %add3A_316 = arith.constant 112 : i32
        %add3A_317 = arith.addi %add3A_315, %add3A_316 : i32
        %get3A_318 = arith.index_cast %add3A_317 : i32 to index
        %get3A_319 = tpu.vector_load %arg5[%get3A_318] {strides = array<i32>} : memref<16384xi32, #tpu.memory_space<vmem>>, vector<16xi32>,
        %add3A_320 = arith.constant 8192 : i32
        %add3A_321 = arith.addi %add3A_320, %mul3A_271 : i32
        %add3A_322 = arith.constant 128 : i32
        %add3A_323 = arith.addi %add3A_321, %add3A_322 : i32
        %get3A_324 = arith.index_cast %add3A_323 : i32 to index
        %get3A_325 = tpu.vector_load %arg5[%get3A_324] {strides = array<i32>} : memref<16384xi32, #tpu.memory_space<vmem>>, vector<16xi32>,
        %add3A_326 = arith.constant 8192 : i32
        %add3A_327 = arith.addi %add3A_326, %mul3A_271 : i32
        %add3A_328 = arith.constant 144 : i32
        %add3A_329 = arith.addi %add3A_327, %add3A_328 : i32
        %get3A_330 = arith.index_cast %add3A_329 : i32 to index
        %get3A_331 = tpu.vector_load %arg5[%get3A_330] {strides = array<i32>} : memref<16384xi32, #tpu.memory_space<vmem>>, vector<16xi32>,
        %add3A_332 = arith.constant 8192 : i32
        %add3A_333 = arith.addi %add3A_332, %mul3A_271 : i32
        %add3A_334 = arith.constant 160 : i32
        %add3A_335 = arith.addi %add3A_333, %add3A_334 : i32
        %get3A_336 = arith.index_cast %add3A_335 : i32 to index
        %get3A_337 = tpu.vector_load %arg5[%get3A_336] {strides = array<i32>} : memref<16384xi32, #tpu.memory_space<vmem>>, vector<16xi32>,
        %add3A_338 = arith.constant 8192 : i32
        %add3A_339 = arith.addi %add3A_338, %mul3A_271 : i32
        %add3A_340 = arith.constant 176 : i32
        %add3A_341 = arith.addi %add3A_339, %add3A_340 : i32
        %get3A_342 = arith.index_cast %add3A_341 : i32 to index
        %get3A_343 = tpu.vector_load %arg5[%get3A_342] {strides = array<i32>} : memref<16384xi32, #tpu.memory_space<vmem>>, vector<16xi32>,
        %add3A_344 = arith.constant 8192 : i32
        %add3A_345 = arith.addi %add3A_344, %mul3A_271 : i32
        %add3A_346 = arith.constant 192 : i32
        %add3A_347 = arith.addi %add3A_345, %add3A_346 : i32
        %get3A_348 = arith.index_cast %add3A_347 : i32 to index
        %get3A_349 = tpu.vector_load %arg5[%get3A_348] {strides = array<i32>} : memref<16384xi32, #tpu.memory_space<vmem>>, vector<16xi32>,
        %add3A_350 = arith.constant 8192 : i32
        %add3A_351 = arith.addi %add3A_350, %mul3A_271 : i32
        %add3A_352 = arith.constant 208 : i32
        %add3A_353 = arith.addi %add3A_351, %add3A_352 : i32
        %get3A_354 = arith.index_cast %add3A_353 : i32 to index
        %get3A_355 = tpu.vector_load %arg5[%get3A_354] {strides = array<i32>} : memref<16384xi32, #tpu.memory_space<vmem>>, vector<16xi32>,
        %add3A_356 = arith.constant 8192 : i32
        %add3A_357 = arith.addi %add3A_356, %mul3A_271 : i32
        %add3A_358 = arith.constant 224 : i32
        %add3A_359 = arith.addi %add3A_357, %add3A_358 : i32
        %get3A_360 = arith.index_cast %add3A_359 : i32 to index
        %get3A_361 = tpu.vector_load %arg5[%get3A_360] {strides = array<i32>} : memref<16384xi32, #tpu.memory_space<vmem>>, vector<16xi32>,
        %add3A_362 = arith.constant 8192 : i32
        %add3A_363 = arith.addi %add3A_362, %mul3A_271 : i32
        %add3A_364 = arith.constant 240 : i32
        %add3A_365 = arith.addi %add3A_363, %add3A_364 : i32
        %get3A_366 = arith.index_cast %add3A_365 : i32 to index
        %get3A_367 = tpu.vector_load %arg5[%get3A_366] {strides = array<i32>} : memref<16384xi32, #tpu.memory_space<vmem>>, vector<16xi32>,
        %gather3A_368 = tpu.vector_load_idx %arg6[%get3A_277] : memref<100000xf32, #tpu.memory_space<vmem>>[vector<16xi32>], vector<16xf32>,
        %gather3A_369 = tpu.vector_load_idx %arg6[%get3A_283] : memref<100000xf32, #tpu.memory_space<vmem>>[vector<16xi32>], vector<16xf32>,
        %gather3A_370 = tpu.vector_load_idx %arg6[%get3A_289] : memref<100000xf32, #tpu.memory_space<vmem>>[vector<16xi32>], vector<16xf32>,
        %gather3A_371 = tpu.vector_load_idx %arg6[%get3A_295] : memref<100000xf32, #tpu.memory_space<vmem>>[vector<16xi32>], vector<16xf32>,
        %gather3A_372 = tpu.vector_load_idx %arg6[%get3A_301] : memref<100000xf32, #tpu.memory_space<vmem>>[vector<16xi32>], vector<16xf32>,
        %gather3A_373 = tpu.vector_load_idx %arg6[%get3A_307] : memref<100000xf32, #tpu.memory_space<vmem>>[vector<16xi32>], vector<16xf32>,
        %gather3A_374 = tpu.vector_load_idx %arg6[%get3A_313] : memref<100000xf32, #tpu.memory_space<vmem>>[vector<16xi32>], vector<16xf32>,
        %gather3A_375 = tpu.vector_load_idx %arg6[%get3A_319] : memref<100000xf32, #tpu.memory_space<vmem>>[vector<16xi32>], vector<16xf32>,
        %gather3A_376 = tpu.vector_load_idx %arg6[%get3A_325] : memref<100000xf32, #tpu.memory_space<vmem>>[vector<16xi32>], vector<16xf32>,
        %gather3A_377 = tpu.vector_load_idx %arg6[%get3A_331] : memref<100000xf32, #tpu.memory_space<vmem>>[vector<16xi32>], vector<16xf32>,
        %gather3A_378 = tpu.vector_load_idx %arg6[%get3A_337] : memref<100000xf32, #tpu.memory_space<vmem>>[vector<16xi32>], vector<16xf32>,
        %gather3A_379 = tpu.vector_load_idx %arg6[%get3A_343] : memref<100000xf32, #tpu.memory_space<vmem>>[vector<16xi32>], vector<16xf32>,
        %gather3A_380 = tpu.vector_load_idx %arg6[%get3A_349] : memref<100000xf32, #tpu.memory_space<vmem>>[vector<16xi32>], vector<16xf32>,
        %gather3A_381 = tpu.vector_load_idx %arg6[%get3A_355] : memref<100000xf32, #tpu.memory_space<vmem>>[vector<16xi32>], vector<16xf32>,
        %gather3A_382 = tpu.vector_load_idx %arg6[%get3A_361] : memref<100000xf32, #tpu.memory_space<vmem>>[vector<16xi32>], vector<16xf32>,
        %gather3A_383 = tpu.vector_load_idx %arg6[%get3A_367] : memref<100000xf32, #tpu.memory_space<vmem>>[vector<16xi32>], vector<16xf32>,
        %add3A_384 = arith.constant 0 : i32
        %add3A_385 = arith.addi %mul3A_271, %add3A_384 : i32
        %swap3A_386 = arith.index_cast %add3A_385 : i32 to index
        %swap3A_387 = tpu.vector_load %arg7[%swap3A_386] {strides = array<i32>} : memref<4096xf32, #tpu.memory_space<vmem>>, vector<16xf32>,
        tpu.vector_store %arg7[%swap3A_386], %gather3A_368 {strides = array<i32>} : memref<4096xf32, #tpu.memory_space<vmem>>, vector<16xf32>,
        %add3A_388 = arith.constant 16 : i32
        %add3A_389 = arith.addi %mul3A_271, %add3A_388 : i32
        %swap3A_390 = arith.index_cast %add3A_389 : i32 to index
        %swap3A_391 = tpu.vector_load %arg7[%swap3A_390] {strides = array<i32>} : memref<4096xf32, #tpu.memory_space<vmem>>, vector<16xf32>,
        tpu.vector_store %arg7[%swap3A_390], %gather3A_369 {strides = array<i32>} : memref<4096xf32, #tpu.memory_space<vmem>>, vector<16xf32>,
        %add3A_392 = arith.constant 32 : i32
        %add3A_393 = arith.addi %mul3A_271, %add3A_392 : i32
        %swap3A_394 = arith.index_cast %add3A_393 : i32 to index
        %swap3A_395 = tpu.vector_load %arg7[%swap3A_394] {strides = array<i32>} : memref<4096xf32, #tpu.memory_space<vmem>>, vector<16xf32>,
        tpu.vector_store %arg7[%swap3A_394], %gather3A_370 {strides = array<i32>} : memref<4096xf32, #tpu.memory_space<vmem>>, vector<16xf32>,
        %add3A_396 = arith.constant 48 : i32
        %add3A_397 = arith.addi %mul3A_271, %add3A_396 : i32
        %swap3A_398 = arith.index_cast %add3A_397 : i32 to index
        %swap3A_399 = tpu.vector_load %arg7[%swap3A_398] {strides = array<i32>} : memref<4096xf32, #tpu.memory_space<vmem>>, vector<16xf32>,
        tpu.vector_store %arg7[%swap3A_398], %gather3A_371 {strides = array<i32>} : memref<4096xf32, #tpu.memory_space<vmem>>, vector<16xf32>,
        %add3A_400 = arith.constant 64 : i32
        %add3A_401 = arith.addi %mul3A_271, %add3A_400 : i32
        %swap3A_402 = arith.index_cast %add3A_401 : i32 to index
        %swap3A_403 = tpu.vector_load %arg7[%swap3A_402] {strides = array<i32>} : memref<4096xf32, #tpu.memory_space<vmem>>, vector<16xf32>,
        tpu.vector_store %arg7[%swap3A_402], %gather3A_372 {strides = array<i32>} : memref<4096xf32, #tpu.memory_space<vmem>>, vector<16xf32>,
        %add3A_404 = arith.constant 80 : i32
        %add3A_405 = arith.addi %mul3A_271, %add3A_404 : i32
        %swap3A_406 = arith.index_cast %add3A_405 : i32 to index
        %swap3A_407 = tpu.vector_load %arg7[%swap3A_406] {strides = array<i32>} : memref<4096xf32, #tpu.memory_space<vmem>>, vector<16xf32>,
        tpu.vector_store %arg7[%swap3A_406], %gather3A_373 {strides = array<i32>} : memref<4096xf32, #tpu.memory_space<vmem>>, vector<16xf32>,
        %add3A_408 = arith.constant 96 : i32
        %add3A_409 = arith.addi %mul3A_271, %add3A_408 : i32
        %swap3A_410 = arith.index_cast %add3A_409 : i32 to index
        %swap3A_411 = tpu.vector_load %arg7[%swap3A_410] {strides = array<i32>} : memref<4096xf32, #tpu.memory_space<vmem>>, vector<16xf32>,
        tpu.vector_store %arg7[%swap3A_410], %gather3A_374 {strides = array<i32>} : memref<4096xf32, #tpu.memory_space<vmem>>, vector<16xf32>,
        %add3A_412 = arith.constant 112 : i32
        %add3A_413 = arith.addi %mul3A_271, %add3A_412 : i32
        %swap3A_414 = arith.index_cast %add3A_413 : i32 to index
        %swap3A_415 = tpu.vector_load %arg7[%swap3A_414] {strides = array<i32>} : memref<4096xf32, #tpu.memory_space<vmem>>, vector<16xf32>,
        tpu.vector_store %arg7[%swap3A_414], %gather3A_375 {strides = array<i32>} : memref<4096xf32, #tpu.memory_space<vmem>>, vector<16xf32>,
        %add3A_416 = arith.constant 128 : i32
        %add3A_417 = arith.addi %mul3A_271, %add3A_416 : i32
        %swap3A_418 = arith.index_cast %add3A_417 : i32 to index
        %swap3A_419 = tpu.vector_load %arg7[%swap3A_418] {strides = array<i32>} : memref<4096xf32, #tpu.memory_space<vmem>>, vector<16xf32>,
        tpu.vector_store %arg7[%swap3A_418], %gather3A_376 {strides = array<i32>} : memref<4096xf32, #tpu.memory_space<vmem>>, vector<16xf32>,
        %add3A_420 = arith.constant 144 : i32
        %add3A_421 = arith.addi %mul3A_271, %add3A_420 : i32
        %swap3A_422 = arith.index_cast %add3A_421 : i32 to index
        %swap3A_423 = tpu.vector_load %arg7[%swap3A_422] {strides = array<i32>} : memref<4096xf32, #tpu.memory_space<vmem>>, vector<16xf32>,
        tpu.vector_store %arg7[%swap3A_422], %gather3A_377 {strides = array<i32>} : memref<4096xf32, #tpu.memory_space<vmem>>, vector<16xf32>,
        %add3A_424 = arith.constant 160 : i32
        %add3A_425 = arith.addi %mul3A_271, %add3A_424 : i32
        %swap3A_426 = arith.index_cast %add3A_425 : i32 to index
        %swap3A_427 = tpu.vector_load %arg7[%swap3A_426] {strides = array<i32>} : memref<4096xf32, #tpu.memory_space<vmem>>, vector<16xf32>,
        tpu.vector_store %arg7[%swap3A_426], %gather3A_378 {strides = array<i32>} : memref<4096xf32, #tpu.memory_space<vmem>>, vector<16xf32>,
        %add3A_428 = arith.constant 176 : i32
        %add3A_429 = arith.addi %mul3A_271, %add3A_428 : i32
        %swap3A_430 = arith.index_cast %add3A_429 : i32 to index
        %swap3A_431 = tpu.vector_load %arg7[%swap3A_430] {strides = array<i32>} : memref<4096xf32, #tpu.memory_space<vmem>>, vector<16xf32>,
        tpu.vector_store %arg7[%swap3A_430], %gather3A_379 {strides = array<i32>} : memref<4096xf32, #tpu.memory_space<vmem>>, vector<16xf32>,
        %add3A_432 = arith.constant 192 : i32
        %add3A_433 = arith.addi %mul3A_271, %add3A_432 : i32
        %swap3A_434 = arith.index_cast %add3A_433 : i32 to index
        %swap3A_435 = tpu.vector_load %arg7[%swap3A_434] {strides = array<i32>} : memref<4096xf32, #tpu.memory_space<vmem>>, vector<16xf32>,
        tpu.vector_store %arg7[%swap3A_434], %gather3A_380 {strides = array<i32>} : memref<4096xf32, #tpu.memory_space<vmem>>, vector<16xf32>,
        %add3A_436 = arith.constant 208 : i32
        %add3A_437 = arith.addi %mul3A_271, %add3A_436 : i32
        %swap3A_438 = arith.index_cast %add3A_437 : i32 to index
        %swap3A_439 = tpu.vector_load %arg7[%swap3A_438] {strides = array<i32>} : memref<4096xf32, #tpu.memory_space<vmem>>, vector<16xf32>,
        tpu.vector_store %arg7[%swap3A_438], %gather3A_381 {strides = array<i32>} : memref<4096xf32, #tpu.memory_space<vmem>>, vector<16xf32>,
        %add3A_440 = arith.constant 224 : i32
        %add3A_441 = arith.addi %mul3A_271, %add3A_440 : i32
        %swap3A_442 = arith.index_cast %add3A_441 : i32 to index
        %swap3A_443 = tpu.vector_load %arg7[%swap3A_442] {strides = array<i32>} : memref<4096xf32, #tpu.memory_space<vmem>>, vector<16xf32>,
        tpu.vector_store %arg7[%swap3A_442], %gather3A_382 {strides = array<i32>} : memref<4096xf32, #tpu.memory_space<vmem>>, vector<16xf32>,
        %add3A_444 = arith.constant 240 : i32
        %add3A_445 = arith.addi %mul3A_271, %add3A_444 : i32
        %swap3A_446 = arith.index_cast %add3A_445 : i32 to index
        %swap3A_447 = tpu.vector_load %arg7[%swap3A_446] {strides = array<i32>} : memref<4096xf32, #tpu.memory_space<vmem>>, vector<16xf32>,
        tpu.vector_store %arg7[%swap3A_446], %gather3A_383 {strides = array<i32>} : memref<4096xf32, #tpu.memory_space<vmem>>, vector<16xf32>,
      }
      %scan3A_56 = arith.constant 16 : i32
      %dma_start3A_57 = arith.constant 8192 : i32
      %dma_start3A_58 = tpu.memref_slice %arg4[%rem3A_7, %add3A, %dma_start3A_57] : memref<26x32x16384xf32, #tpu.memory_space<hbm>> -> memref<1x1x4096xf32, #tpu.memory_space<hbm>>
      %dma_start3A_59 = tpu.memref_squeeze %dma_start3A_58 : memref<1x1x4096xf32, #tpu.memory_space<hbm>> -> memref<4096xf32, #tpu.memory_space<hbm>>
      %dma_start3A_60 = arith.constant 8192 : i32
      %dma_start3A_61 = tpu.memref_slice %arg4[%rem3A_7, %add3A, %dma_start3A_60] : memref<26x32x16384xf32, #tpu.memory_space<hbm>> -> memref<1x1x4096xf32, #tpu.memory_space<hbm>>
      %dma_start3A_62 = tpu.memref_squeeze %dma_start3A_61 : memref<1x1x4096xf32, #tpu.memory_space<hbm>> -> memref<4096xf32, #tpu.memory_space<hbm>>
      tpu.enqueue_dma source(%arg7 : memref<4096xf32, #tpu.memory_space<vmem>>) target(%dma_start3A_62 : memref<4096xf32, #tpu.memory_space<hbm>>) target_semaphore(%arg11 : memref<!tpu.dma_semaphore, #tpu.memory_space<semaphore_mem>>)
      %dma_wait3A_63 = arith.constant 4096 : i32
      %dma_wait3A_64 = tpu.memref_slice %arg4[%rem3A_7, %add3A, %dma_wait3A_63] : memref<26x32x16384xf32, #tpu.memory_space<hbm>> -> memref<1x1x4096xf32, #tpu.memory_space<hbm>>
      %dma_wait3A_65 = tpu.memref_squeeze %dma_wait3A_64 : memref<1x1x4096xf32, #tpu.memory_space<hbm>> -> memref<4096xf32, #tpu.memory_space<hbm>>
      %dma_wait3A_66 = arith.constant 4096 : i32
      %dma_wait3A_67 = tpu.memref_slice %arg4[%rem3A_7, %add3A, %dma_wait3A_66] : memref<26x32x16384xf32, #tpu.memory_space<hbm>> -> memref<1x1x4096xf32, #tpu.memory_space<hbm>>
      %dma_wait3A_68 = tpu.memref_squeeze %dma_wait3A_67 : memref<1x1x4096xf32, #tpu.memory_space<hbm>> -> memref<4096xf32, #tpu.memory_space<hbm>>
      tpu.wait_dma2 semaphore(%arg11 : memref<!tpu.dma_semaphore, #tpu.memory_space<semaphore_mem>>) src(%arg8 : memref<4096xf32, #tpu.memory_space<vmem>>) dst(%dma_wait3A_68 : memref<4096xf32, #tpu.memory_space<hbm>>)
      %scan3A_69 = arith.constant 0 : i32
      %scan3A_70 = arith.constant 16 : i32
      %scan3A_71 = arith.addi %scan3A_69, %scan3A_70 : i32
      %scan3A_72 = arith.constant 2 : i32
      scf.for %scan3A_92 = %scan3A_69 to %scan3A_71 step %scan3A_72  : i32 {
        %mul3A_93 = arith.constant 256 : i32
        %mul3A_94 = arith.muli %scan3A_92, %mul3A_93 : i32
        %add3A_95 = arith.constant 12288 : i32
        %add3A_96 = arith.addi %add3A_95, %mul3A_94 : i32
        %add3A_97 = arith.constant 0 : i32
        %add3A_98 = arith.addi %add3A_96, %add3A_97 : i32
        %get3A = arith.index_cast %add3A_98 : i32 to index
        %get3A_99 = tpu.vector_load %arg5[%get3A] {strides = array<i32>} : memref<16384xi32, #tpu.memory_space<vmem>>, vector<16xi32>,
        %add3A_100 = arith.constant 12288 : i32
        %add3A_101 = arith.addi %add3A_100, %mul3A_94 : i32
        %add3A_102 = arith.constant 16 : i32
        %add3A_103 = arith.addi %add3A_101, %add3A_102 : i32
        %get3A_104 = arith.index_cast %add3A_103 : i32 to index
        %get3A_105 = tpu.vector_load %arg5[%get3A_104] {strides = array<i32>} : memref<16384xi32, #tpu.memory_space<vmem>>, vector<16xi32>,
        %add3A_106 = arith.constant 12288 : i32
        %add3A_107 = arith.addi %add3A_106, %mul3A_94 : i32
        %add3A_108 = arith.constant 32 : i32
        %add3A_109 = arith.addi %add3A_107, %add3A_108 : i32
        %get3A_110 = arith.index_cast %add3A_109 : i32 to index
        %get3A_111 = tpu.vector_load %arg5[%get3A_110] {strides = array<i32>} : memref<16384xi32, #tpu.memory_space<vmem>>, vector<16xi32>,
        %add3A_112 = arith.constant 12288 : i32
        %add3A_113 = arith.addi %add3A_112, %mul3A_94 : i32
        %add3A_114 = arith.constant 48 : i32
        %add3A_115 = arith.addi %add3A_113, %add3A_114 : i32
        %get3A_116 = arith.index_cast %add3A_115 : i32 to index
        %get3A_117 = tpu.vector_load %arg5[%get3A_116] {strides = array<i32>} : memref<16384xi32, #tpu.memory_space<vmem>>, vector<16xi32>,
        %add3A_118 = arith.constant 12288 : i32
        %add3A_119 = arith.addi %add3A_118, %mul3A_94 : i32
        %add3A_120 = arith.constant 64 : i32
        %add3A_121 = arith.addi %add3A_119, %add3A_120 : i32
        %get3A_122 = arith.index_cast %add3A_121 : i32 to index
        %get3A_123 = tpu.vector_load %arg5[%get3A_122] {strides = array<i32>} : memref<16384xi32, #tpu.memory_space<vmem>>, vector<16xi32>,
        %add3A_124 = arith.constant 12288 : i32
        %add3A_125 = arith.addi %add3A_124, %mul3A_94 : i32
        %add3A_126 = arith.constant 80 : i32
        %add3A_127 = arith.addi %add3A_125, %add3A_126 : i32
        %get3A_128 = arith.index_cast %add3A_127 : i32 to index
        %get3A_129 = tpu.vector_load %arg5[%get3A_128] {strides = array<i32>} : memref<16384xi32, #tpu.memory_space<vmem>>, vector<16xi32>,
        %add3A_130 = arith.constant 12288 : i32
        %add3A_131 = arith.addi %add3A_130, %mul3A_94 : i32
        %add3A_132 = arith.constant 96 : i32
        %add3A_133 = arith.addi %add3A_131, %add3A_132 : i32
        %get3A_134 = arith.index_cast %add3A_133 : i32 to index
        %get3A_135 = tpu.vector_load %arg5[%get3A_134] {strides = array<i32>} : memref<16384xi32, #tpu.memory_space<vmem>>, vector<16xi32>,
        %add3A_136 = arith.constant 12288 : i32
        %add3A_137 = arith.addi %add3A_136, %mul3A_94 : i32
        %add3A_138 = arith.constant 112 : i32
        %add3A_139 = arith.addi %add3A_137, %add3A_138 : i32
        %get3A_140 = arith.index_cast %add3A_139 : i32 to index
        %get3A_141 = tpu.vector_load %arg5[%get3A_140] {strides = array<i32>} : memref<16384xi32, #tpu.memory_space<vmem>>, vector<16xi32>,
        %add3A_142 = arith.constant 12288 : i32
        %add3A_143 = arith.addi %add3A_142, %mul3A_94 : i32
        %add3A_144 = arith.constant 128 : i32
        %add3A_145 = arith.addi %add3A_143, %add3A_144 : i32
        %get3A_146 = arith.index_cast %add3A_145 : i32 to index
        %get3A_147 = tpu.vector_load %arg5[%get3A_146] {strides = array<i32>} : memref<16384xi32, #tpu.memory_space<vmem>>, vector<16xi32>,
        %add3A_148 = arith.constant 12288 : i32
        %add3A_149 = arith.addi %add3A_148, %mul3A_94 : i32
        %add3A_150 = arith.constant 144 : i32
        %add3A_151 = arith.addi %add3A_149, %add3A_150 : i32
        %get3A_152 = arith.index_cast %add3A_151 : i32 to index
        %get3A_153 = tpu.vector_load %arg5[%get3A_152] {strides = array<i32>} : memref<16384xi32, #tpu.memory_space<vmem>>, vector<16xi32>,
        %add3A_154 = arith.constant 12288 : i32
        %add3A_155 = arith.addi %add3A_154, %mul3A_94 : i32
        %add3A_156 = arith.constant 160 : i32
        %add3A_157 = arith.addi %add3A_155, %add3A_156 : i32
        %get3A_158 = arith.index_cast %add3A_157 : i32 to index
        %get3A_159 = tpu.vector_load %arg5[%get3A_158] {strides = array<i32>} : memref<16384xi32, #tpu.memory_space<vmem>>, vector<16xi32>,
        %add3A_160 = arith.constant 12288 : i32
        %add3A_161 = arith.addi %add3A_160, %mul3A_94 : i32
        %add3A_162 = arith.constant 176 : i32
        %add3A_163 = arith.addi %add3A_161, %add3A_162 : i32
        %get3A_164 = arith.index_cast %add3A_163 : i32 to index
        %get3A_165 = tpu.vector_load %arg5[%get3A_164] {strides = array<i32>} : memref<16384xi32, #tpu.memory_space<vmem>>, vector<16xi32>,
        %add3A_166 = arith.constant 12288 : i32
        %add3A_167 = arith.addi %add3A_166, %mul3A_94 : i32
        %add3A_168 = arith.constant 192 : i32
        %add3A_169 = arith.addi %add3A_167, %add3A_168 : i32
        %get3A_170 = arith.index_cast %add3A_169 : i32 to index
        %get3A_171 = tpu.vector_load %arg5[%get3A_170] {strides = array<i32>} : memref<16384xi32, #tpu.memory_space<vmem>>, vector<16xi32>,
        %add3A_172 = arith.constant 12288 : i32
        %add3A_173 = arith.addi %add3A_172, %mul3A_94 : i32
        %add3A_174 = arith.constant 208 : i32
        %add3A_175 = arith.addi %add3A_173, %add3A_174 : i32
        %get3A_176 = arith.index_cast %add3A_175 : i32 to index
        %get3A_177 = tpu.vector_load %arg5[%get3A_176] {strides = array<i32>} : memref<16384xi32, #tpu.memory_space<vmem>>, vector<16xi32>,
        %add3A_178 = arith.constant 12288 : i32
        %add3A_179 = arith.addi %add3A_178, %mul3A_94 : i32
        %add3A_180 = arith.constant 224 : i32
        %add3A_181 = arith.addi %add3A_179, %add3A_180 : i32
        %get3A_182 = arith.index_cast %add3A_181 : i32 to index
        %get3A_183 = tpu.vector_load %arg5[%get3A_182] {strides = array<i32>} : memref<16384xi32, #tpu.memory_space<vmem>>, vector<16xi32>,
        %add3A_184 = arith.constant 12288 : i32
        %add3A_185 = arith.addi %add3A_184, %mul3A_94 : i32
        %add3A_186 = arith.constant 240 : i32
        %add3A_187 = arith.addi %add3A_185, %add3A_186 : i32
        %get3A_188 = arith.index_cast %add3A_187 : i32 to index
        %get3A_189 = tpu.vector_load %arg5[%get3A_188] {strides = array<i32>} : memref<16384xi32, #tpu.memory_space<vmem>>, vector<16xi32>,
        %gather3A = tpu.vector_load_idx %arg6[%get3A_99] : memref<100000xf32, #tpu.memory_space<vmem>>[vector<16xi32>], vector<16xf32>,
        %gather3A_190 = tpu.vector_load_idx %arg6[%get3A_105] : memref<100000xf32, #tpu.memory_space<vmem>>[vector<16xi32>], vector<16xf32>,
        %gather3A_191 = tpu.vector_load_idx %arg6[%get3A_111] : memref<100000xf32, #tpu.memory_space<vmem>>[vector<16xi32>], vector<16xf32>,
        %gather3A_192 = tpu.vector_load_idx %arg6[%get3A_117] : memref<100000xf32, #tpu.memory_space<vmem>>[vector<16xi32>], vector<16xf32>,
        %gather3A_193 = tpu.vector_load_idx %arg6[%get3A_123] : memref<100000xf32, #tpu.memory_space<vmem>>[vector<16xi32>], vector<16xf32>,
        %gather3A_194 = tpu.vector_load_idx %arg6[%get3A_129] : memref<100000xf32, #tpu.memory_space<vmem>>[vector<16xi32>], vector<16xf32>,
        %gather3A_195 = tpu.vector_load_idx %arg6[%get3A_135] : memref<100000xf32, #tpu.memory_space<vmem>>[vector<16xi32>], vector<16xf32>,
        %gather3A_196 = tpu.vector_load_idx %arg6[%get3A_141] : memref<100000xf32, #tpu.memory_space<vmem>>[vector<16xi32>], vector<16xf32>,
        %gather3A_197 = tpu.vector_load_idx %arg6[%get3A_147] : memref<100000xf32, #tpu.memory_space<vmem>>[vector<16xi32>], vector<16xf32>,
        %gather3A_198 = tpu.vector_load_idx %arg6[%get3A_153] : memref<100000xf32, #tpu.memory_space<vmem>>[vector<16xi32>], vector<16xf32>,
        %gather3A_199 = tpu.vector_load_idx %arg6[%get3A_159] : memref<100000xf32, #tpu.memory_space<vmem>>[vector<16xi32>], vector<16xf32>,
        %gather3A_200 = tpu.vector_load_idx %arg6[%get3A_165] : memref<100000xf32, #tpu.memory_space<vmem>>[vector<16xi32>], vector<16xf32>,
        %gather3A_201 = tpu.vector_load_idx %arg6[%get3A_171] : memref<100000xf32, #tpu.memory_space<vmem>>[vector<16xi32>], vector<16xf32>,
        %gather3A_202 = tpu.vector_load_idx %arg6[%get3A_177] : memref<100000xf32, #tpu.memory_space<vmem>>[vector<16xi32>], vector<16xf32>,
        %gather3A_203 = tpu.vector_load_idx %arg6[%get3A_183] : memref<100000xf32, #tpu.memory_space<vmem>>[vector<16xi32>], vector<16xf32>,
        %gather3A_204 = tpu.vector_load_idx %arg6[%get3A_189] : memref<100000xf32, #tpu.memory_space<vmem>>[vector<16xi32>], vector<16xf32>,
        %add3A_205 = arith.constant 0 : i32
        %add3A_206 = arith.addi %mul3A_94, %add3A_205 : i32
        %swap3A = arith.index_cast %add3A_206 : i32 to index
        %swap3A_207 = tpu.vector_load %arg8[%swap3A] {strides = array<i32>} : memref<4096xf32, #tpu.memory_space<vmem>>, vector<16xf32>,
        tpu.vector_store %arg8[%swap3A], %gather3A {strides = array<i32>} : memref<4096xf32, #tpu.memory_space<vmem>>, vector<16xf32>,
        %add3A_208 = arith.constant 16 : i32
        %add3A_209 = arith.addi %mul3A_94, %add3A_208 : i32
        %swap3A_210 = arith.index_cast %add3A_209 : i32 to index
        %swap3A_211 = tpu.vector_load %arg8[%swap3A_210] {strides = array<i32>} : memref<4096xf32, #tpu.memory_space<vmem>>, vector<16xf32>,
        tpu.vector_store %arg8[%swap3A_210], %gather3A_190 {strides = array<i32>} : memref<4096xf32, #tpu.memory_space<vmem>>, vector<16xf32>,
        %add3A_212 = arith.constant 32 : i32
        %add3A_213 = arith.addi %mul3A_94, %add3A_212 : i32
        %swap3A_214 = arith.index_cast %add3A_213 : i32 to index
        %swap3A_215 = tpu.vector_load %arg8[%swap3A_214] {strides = array<i32>} : memref<4096xf32, #tpu.memory_space<vmem>>, vector<16xf32>,
        tpu.vector_store %arg8[%swap3A_214], %gather3A_191 {strides = array<i32>} : memref<4096xf32, #tpu.memory_space<vmem>>, vector<16xf32>,
        %add3A_216 = arith.constant 48 : i32
        %add3A_217 = arith.addi %mul3A_94, %add3A_216 : i32
        %swap3A_218 = arith.index_cast %add3A_217 : i32 to index
        %swap3A_219 = tpu.vector_load %arg8[%swap3A_218] {strides = array<i32>} : memref<4096xf32, #tpu.memory_space<vmem>>, vector<16xf32>,
        tpu.vector_store %arg8[%swap3A_218], %gather3A_192 {strides = array<i32>} : memref<4096xf32, #tpu.memory_space<vmem>>, vector<16xf32>,
        %add3A_220 = arith.constant 64 : i32
        %add3A_221 = arith.addi %mul3A_94, %add3A_220 : i32
        %swap3A_222 = arith.index_cast %add3A_221 : i32 to index
        %swap3A_223 = tpu.vector_load %arg8[%swap3A_222] {strides = array<i32>} : memref<4096xf32, #tpu.memory_space<vmem>>, vector<16xf32>,
        tpu.vector_store %arg8[%swap3A_222], %gather3A_193 {strides = array<i32>} : memref<4096xf32, #tpu.memory_space<vmem>>, vector<16xf32>,
        %add3A_224 = arith.constant 80 : i32
        %add3A_225 = arith.addi %mul3A_94, %add3A_224 : i32
        %swap3A_226 = arith.index_cast %add3A_225 : i32 to index
        %swap3A_227 = tpu.vector_load %arg8[%swap3A_226] {strides = array<i32>} : memref<4096xf32, #tpu.memory_space<vmem>>, vector<16xf32>,
        tpu.vector_store %arg8[%swap3A_226], %gather3A_194 {strides = array<i32>} : memref<4096xf32, #tpu.memory_space<vmem>>, vector<16xf32>,
        %add3A_228 = arith.constant 96 : i32
        %add3A_229 = arith.addi %mul3A_94, %add3A_228 : i32
        %swap3A_230 = arith.index_cast %add3A_229 : i32 to index
        %swap3A_231 = tpu.vector_load %arg8[%swap3A_230] {strides = array<i32>} : memref<4096xf32, #tpu.memory_space<vmem>>, vector<16xf32>,
        tpu.vector_store %arg8[%swap3A_230], %gather3A_195 {strides = array<i32>} : memref<4096xf32, #tpu.memory_space<vmem>>, vector<16xf32>,
        %add3A_232 = arith.constant 112 : i32
        %add3A_233 = arith.addi %mul3A_94, %add3A_232 : i32
        %swap3A_234 = arith.index_cast %add3A_233 : i32 to index
        %swap3A_235 = tpu.vector_load %arg8[%swap3A_234] {strides = array<i32>} : memref<4096xf32, #tpu.memory_space<vmem>>, vector<16xf32>,
        tpu.vector_store %arg8[%swap3A_234], %gather3A_196 {strides = array<i32>} : memref<4096xf32, #tpu.memory_space<vmem>>, vector<16xf32>,
        %add3A_236 = arith.constant 128 : i32
        %add3A_237 = arith.addi %mul3A_94, %add3A_236 : i32
        %swap3A_238 = arith.index_cast %add3A_237 : i32 to index
        %swap3A_239 = tpu.vector_load %arg8[%swap3A_238] {strides = array<i32>} : memref<4096xf32, #tpu.memory_space<vmem>>, vector<16xf32>,
        tpu.vector_store %arg8[%swap3A_238], %gather3A_197 {strides = array<i32>} : memref<4096xf32, #tpu.memory_space<vmem>>, vector<16xf32>,
        %add3A_240 = arith.constant 144 : i32
        %add3A_241 = arith.addi %mul3A_94, %add3A_240 : i32
        %swap3A_242 = arith.index_cast %add3A_241 : i32 to index
        %swap3A_243 = tpu.vector_load %arg8[%swap3A_242] {strides = array<i32>} : memref<4096xf32, #tpu.memory_space<vmem>>, vector<16xf32>,
        tpu.vector_store %arg8[%swap3A_242], %gather3A_198 {strides = array<i32>} : memref<4096xf32, #tpu.memory_space<vmem>>, vector<16xf32>,
        %add3A_244 = arith.constant 160 : i32
        %add3A_245 = arith.addi %mul3A_94, %add3A_244 : i32
        %swap3A_246 = arith.index_cast %add3A_245 : i32 to index
        %swap3A_247 = tpu.vector_load %arg8[%swap3A_246] {strides = array<i32>} : memref<4096xf32, #tpu.memory_space<vmem>>, vector<16xf32>,
        tpu.vector_store %arg8[%swap3A_246], %gather3A_199 {strides = array<i32>} : memref<4096xf32, #tpu.memory_space<vmem>>, vector<16xf32>,
        %add3A_248 = arith.constant 176 : i32
        %add3A_249 = arith.addi %mul3A_94, %add3A_248 : i32
        %swap3A_250 = arith.index_cast %add3A_249 : i32 to index
        %swap3A_251 = tpu.vector_load %arg8[%swap3A_250] {strides = array<i32>} : memref<4096xf32, #tpu.memory_space<vmem>>, vector<16xf32>,
        tpu.vector_store %arg8[%swap3A_250], %gather3A_200 {strides = array<i32>} : memref<4096xf32, #tpu.memory_space<vmem>>, vector<16xf32>,
        %add3A_252 = arith.constant 192 : i32
        %add3A_253 = arith.addi %mul3A_94, %add3A_252 : i32
        %swap3A_254 = arith.index_cast %add3A_253 : i32 to index
        %swap3A_255 = tpu.vector_load %arg8[%swap3A_254] {strides = array<i32>} : memref<4096xf32, #tpu.memory_space<vmem>>, vector<16xf32>,
        tpu.vector_store %arg8[%swap3A_254], %gather3A_201 {strides = array<i32>} : memref<4096xf32, #tpu.memory_space<vmem>>, vector<16xf32>,
        %add3A_256 = arith.constant 208 : i32
        %add3A_257 = arith.addi %mul3A_94, %add3A_256 : i32
        %swap3A_258 = arith.index_cast %add3A_257 : i32 to index
        %swap3A_259 = tpu.vector_load %arg8[%swap3A_258] {strides = array<i32>} : memref<4096xf32, #tpu.memory_space<vmem>>, vector<16xf32>,
        tpu.vector_store %arg8[%swap3A_258], %gather3A_202 {strides = array<i32>} : memref<4096xf32, #tpu.memory_space<vmem>>, vector<16xf32>,
        %add3A_260 = arith.constant 224 : i32
        %add3A_261 = arith.addi %mul3A_94, %add3A_260 : i32
        %swap3A_262 = arith.index_cast %add3A_261 : i32 to index
        %swap3A_263 = tpu.vector_load %arg8[%swap3A_262] {strides = array<i32>} : memref<4096xf32, #tpu.memory_space<vmem>>, vector<16xf32>,
        tpu.vector_store %arg8[%swap3A_262], %gather3A_203 {strides = array<i32>} : memref<4096xf32, #tpu.memory_space<vmem>>, vector<16xf32>,
        %add3A_264 = arith.constant 240 : i32
        %add3A_265 = arith.addi %mul3A_94, %add3A_264 : i32
        %swap3A_266 = arith.index_cast %add3A_265 : i32 to index
        %swap3A_267 = tpu.vector_load %arg8[%swap3A_266] {strides = array<i32>} : memref<4096xf32, #tpu.memory_space<vmem>>, vector<16xf32>,
        tpu.vector_store %arg8[%swap3A_266], %gather3A_204 {strides = array<i32>} : memref<4096xf32, #tpu.memory_space<vmem>>, vector<16xf32>,
        %scan3A_268 = arith.constant 1 : i32
        %scan3A_269 = arith.addi %scan3A_92, %scan3A_268 : i32
        %mul3A_270 = arith.constant 256 : i32
        %mul3A_271 = arith.muli %scan3A_269, %mul3A_270 : i32
        %add3A_272 = arith.constant 12288 : i32
        %add3A_273 = arith.addi %add3A_272, %mul3A_271 : i32
        %add3A_274 = arith.constant 0 : i32
        %add3A_275 = arith.addi %add3A_273, %add3A_274 : i32
        %get3A_276 = arith.index_cast %add3A_275 : i32 to index
        %get3A_277 = tpu.vector_load %arg5[%get3A_276] {strides = array<i32>} : memref<16384xi32, #tpu.memory_space<vmem>>, vector<16xi32>,
        %add3A_278 = arith.constant 12288 : i32
        %add3A_279 = arith.addi %add3A_278, %mul3A_271 : i32
        %add3A_280 = arith.constant 16 : i32
        %add3A_281 = arith.addi %add3A_279, %add3A_280 : i32
        %get3A_282 = arith.index_cast %add3A_281 : i32 to index
        %get3A_283 = tpu.vector_load %arg5[%get3A_282] {strides = array<i32>} : memref<16384xi32, #tpu.memory_space<vmem>>, vector<16xi32>,
        %add3A_284 = arith.constant 12288 : i32
        %add3A_285 = arith.addi %add3A_284, %mul3A_271 : i32
        %add3A_286 = arith.constant 32 : i32
        %add3A_287 = arith.addi %add3A_285, %add3A_286 : i32
        %get3A_288 = arith.index_cast %add3A_287 : i32 to index
        %get3A_289 = tpu.vector_load %arg5[%get3A_288] {strides = array<i32>} : memref<16384xi32, #tpu.memory_space<vmem>>, vector<16xi32>,
        %add3A_290 = arith.constant 12288 : i32
        %add3A_291 = arith.addi %add3A_290, %mul3A_271 : i32
        %add3A_292 = arith.constant 48 : i32
        %add3A_293 = arith.addi %add3A_291, %add3A_292 : i32
        %get3A_294 = arith.index_cast %add3A_293 : i32 to index
        %get3A_295 = tpu.vector_load %arg5[%get3A_294] {strides = array<i32>} : memref<16384xi32, #tpu.memory_space<vmem>>, vector<16xi32>,
        %add3A_296 = arith.constant 12288 : i32
        %add3A_297 = arith.addi %add3A_296, %mul3A_271 : i32
        %add3A_298 = arith.constant 64 : i32
        %add3A_299 = arith.addi %add3A_297, %add3A_298 : i32
        %get3A_300 = arith.index_cast %add3A_299 : i32 to index
        %get3A_301 = tpu.vector_load %arg5[%get3A_300] {strides = array<i32>} : memref<16384xi32, #tpu.memory_space<vmem>>, vector<16xi32>,
        %add3A_302 = arith.constant 12288 : i32
        %add3A_303 = arith.addi %add3A_302, %mul3A_271 : i32
        %add3A_304 = arith.constant 80 : i32
        %add3A_305 = arith.addi %add3A_303, %add3A_304 : i32
        %get3A_306 = arith.index_cast %add3A_305 : i32 to index
        %get3A_307 = tpu.vector_load %arg5[%get3A_306] {strides = array<i32>} : memref<16384xi32, #tpu.memory_space<vmem>>, vector<16xi32>,
        %add3A_308 = arith.constant 12288 : i32
        %add3A_309 = arith.addi %add3A_308, %mul3A_271 : i32
        %add3A_310 = arith.constant 96 : i32
        %add3A_311 = arith.addi %add3A_309, %add3A_310 : i32
        %get3A_312 = arith.index_cast %add3A_311 : i32 to index
        %get3A_313 = tpu.vector_load %arg5[%get3A_312] {strides = array<i32>} : memref<16384xi32, #tpu.memory_space<vmem>>, vector<16xi32>,
        %add3A_314 = arith.constant 12288 : i32
        %add3A_315 = arith.addi %add3A_314, %mul3A_271 : i32
        %add3A_316 = arith.constant 112 : i32
        %add3A_317 = arith.addi %add3A_315, %add3A_316 : i32
        %get3A_318 = arith.index_cast %add3A_317 : i32 to index
        %get3A_319 = tpu.vector_load %arg5[%get3A_318] {strides = array<i32>} : memref<16384xi32, #tpu.memory_space<vmem>>, vector<16xi32>,
        %add3A_320 = arith.constant 12288 : i32
        %add3A_321 = arith.addi %add3A_320, %mul3A_271 : i32
        %add3A_322 = arith.constant 128 : i32
        %add3A_323 = arith.addi %add3A_321, %add3A_322 : i32
        %get3A_324 = arith.index_cast %add3A_323 : i32 to index
        %get3A_325 = tpu.vector_load %arg5[%get3A_324] {strides = array<i32>} : memref<16384xi32, #tpu.memory_space<vmem>>, vector<16xi32>,
        %add3A_326 = arith.constant 12288 : i32
        %add3A_327 = arith.addi %add3A_326, %mul3A_271 : i32
        %add3A_328 = arith.constant 144 : i32
        %add3A_329 = arith.addi %add3A_327, %add3A_328 : i32
        %get3A_330 = arith.index_cast %add3A_329 : i32 to index
        %get3A_331 = tpu.vector_load %arg5[%get3A_330] {strides = array<i32>} : memref<16384xi32, #tpu.memory_space<vmem>>, vector<16xi32>,
        %add3A_332 = arith.constant 12288 : i32
        %add3A_333 = arith.addi %add3A_332, %mul3A_271 : i32
        %add3A_334 = arith.constant 160 : i32
        %add3A_335 = arith.addi %add3A_333, %add3A_334 : i32
        %get3A_336 = arith.index_cast %add3A_335 : i32 to index
        %get3A_337 = tpu.vector_load %arg5[%get3A_336] {strides = array<i32>} : memref<16384xi32, #tpu.memory_space<vmem>>, vector<16xi32>,
        %add3A_338 = arith.constant 12288 : i32
        %add3A_339 = arith.addi %add3A_338, %mul3A_271 : i32
        %add3A_340 = arith.constant 176 : i32
        %add3A_341 = arith.addi %add3A_339, %add3A_340 : i32
        %get3A_342 = arith.index_cast %add3A_341 : i32 to index
        %get3A_343 = tpu.vector_load %arg5[%get3A_342] {strides = array<i32>} : memref<16384xi32, #tpu.memory_space<vmem>>, vector<16xi32>,
        %add3A_344 = arith.constant 12288 : i32
        %add3A_345 = arith.addi %add3A_344, %mul3A_271 : i32
        %add3A_346 = arith.constant 192 : i32
        %add3A_347 = arith.addi %add3A_345, %add3A_346 : i32
        %get3A_348 = arith.index_cast %add3A_347 : i32 to index
        %get3A_349 = tpu.vector_load %arg5[%get3A_348] {strides = array<i32>} : memref<16384xi32, #tpu.memory_space<vmem>>, vector<16xi32>,
        %add3A_350 = arith.constant 12288 : i32
        %add3A_351 = arith.addi %add3A_350, %mul3A_271 : i32
        %add3A_352 = arith.constant 208 : i32
        %add3A_353 = arith.addi %add3A_351, %add3A_352 : i32
        %get3A_354 = arith.index_cast %add3A_353 : i32 to index
        %get3A_355 = tpu.vector_load %arg5[%get3A_354] {strides = array<i32>} : memref<16384xi32, #tpu.memory_space<vmem>>, vector<16xi32>,
        %add3A_356 = arith.constant 12288 : i32
        %add3A_357 = arith.addi %add3A_356, %mul3A_271 : i32
        %add3A_358 = arith.constant 224 : i32
        %add3A_359 = arith.addi %add3A_357, %add3A_358 : i32
        %get3A_360 = arith.index_cast %add3A_359 : i32 to index
        %get3A_361 = tpu.vector_load %arg5[%get3A_360] {strides = array<i32>} : memref<16384xi32, #tpu.memory_space<vmem>>, vector<16xi32>,
        %add3A_362 = arith.constant 12288 : i32
        %add3A_363 = arith.addi %add3A_362, %mul3A_271 : i32
        %add3A_364 = arith.constant 240 : i32
        %add3A_365 = arith.addi %add3A_363, %add3A_364 : i32
        %get3A_366 = arith.index_cast %add3A_365 : i32 to index
        %get3A_367 = tpu.vector_load %arg5[%get3A_366] {strides = array<i32>} : memref<16384xi32, #tpu.memory_space<vmem>>, vector<16xi32>,
        %gather3A_368 = tpu.vector_load_idx %arg6[%get3A_277] : memref<100000xf32, #tpu.memory_space<vmem>>[vector<16xi32>], vector<16xf32>,
        %gather3A_369 = tpu.vector_load_idx %arg6[%get3A_283] : memref<100000xf32, #tpu.memory_space<vmem>>[vector<16xi32>], vector<16xf32>,
        %gather3A_370 = tpu.vector_load_idx %arg6[%get3A_289] : memref<100000xf32, #tpu.memory_space<vmem>>[vector<16xi32>], vector<16xf32>,
        %gather3A_371 = tpu.vector_load_idx %arg6[%get3A_295] : memref<100000xf32, #tpu.memory_space<vmem>>[vector<16xi32>], vector<16xf32>,
        %gather3A_372 = tpu.vector_load_idx %arg6[%get3A_301] : memref<100000xf32, #tpu.memory_space<vmem>>[vector<16xi32>], vector<16xf32>,
        %gather3A_373 = tpu.vector_load_idx %arg6[%get3A_307] : memref<100000xf32, #tpu.memory_space<vmem>>[vector<16xi32>], vector<16xf32>,
        %gather3A_374 = tpu.vector_load_idx %arg6[%get3A_313] : memref<100000xf32, #tpu.memory_space<vmem>>[vector<16xi32>], vector<16xf32>,
        %gather3A_375 = tpu.vector_load_idx %arg6[%get3A_319] : memref<100000xf32, #tpu.memory_space<vmem>>[vector<16xi32>], vector<16xf32>,
        %gather3A_376 = tpu.vector_load_idx %arg6[%get3A_325] : memref<100000xf32, #tpu.memory_space<vmem>>[vector<16xi32>], vector<16xf32>,
        %gather3A_377 = tpu.vector_load_idx %arg6[%get3A_331] : memref<100000xf32, #tpu.memory_space<vmem>>[vector<16xi32>], vector<16xf32>,
        %gather3A_378 = tpu.vector_load_idx %arg6[%get3A_337] : memref<100000xf32, #tpu.memory_space<vmem>>[vector<16xi32>], vector<16xf32>,
        %gather3A_379 = tpu.vector_load_idx %arg6[%get3A_343] : memref<100000xf32, #tpu.memory_space<vmem>>[vector<16xi32>], vector<16xf32>,
        %gather3A_380 = tpu.vector_load_idx %arg6[%get3A_349] : memref<100000xf32, #tpu.memory_space<vmem>>[vector<16xi32>], vector<16xf32>,
        %gather3A_381 = tpu.vector_load_idx %arg6[%get3A_355] : memref<100000xf32, #tpu.memory_space<vmem>>[vector<16xi32>], vector<16xf32>,
        %gather3A_382 = tpu.vector_load_idx %arg6[%get3A_361] : memref<100000xf32, #tpu.memory_space<vmem>>[vector<16xi32>], vector<16xf32>,
        %gather3A_383 = tpu.vector_load_idx %arg6[%get3A_367] : memref<100000xf32, #tpu.memory_space<vmem>>[vector<16xi32>], vector<16xf32>,
        %add3A_384 = arith.constant 0 : i32
        %add3A_385 = arith.addi %mul3A_271, %add3A_384 : i32
        %swap3A_386 = arith.index_cast %add3A_385 : i32 to index
        %swap3A_387 = tpu.vector_load %arg8[%swap3A_386] {strides = array<i32>} : memref<4096xf32, #tpu.memory_space<vmem>>, vector<16xf32>,
        tpu.vector_store %arg8[%swap3A_386], %gather3A_368 {strides = array<i32>} : memref<4096xf32, #tpu.memory_space<vmem>>, vector<16xf32>,
        %add3A_388 = arith.constant 16 : i32
        %add3A_389 = arith.addi %mul3A_271, %add3A_388 : i32
        %swap3A_390 = arith.index_cast %add3A_389 : i32 to index
        %swap3A_391 = tpu.vector_load %arg8[%swap3A_390] {strides = array<i32>} : memref<4096xf32, #tpu.memory_space<vmem>>, vector<16xf32>,
        tpu.vector_store %arg8[%swap3A_390], %gather3A_369 {strides = array<i32>} : memref<4096xf32, #tpu.memory_space<vmem>>, vector<16xf32>,
        %add3A_392 = arith.constant 32 : i32
        %add3A_393 = arith.addi %mul3A_271, %add3A_392 : i32
        %swap3A_394 = arith.index_cast %add3A_393 : i32 to index
        %swap3A_395 = tpu.vector_load %arg8[%swap3A_394] {strides = array<i32>} : memref<4096xf32, #tpu.memory_space<vmem>>, vector<16xf32>,
        tpu.vector_store %arg8[%swap3A_394], %gather3A_370 {strides = array<i32>} : memref<4096xf32, #tpu.memory_space<vmem>>, vector<16xf32>,
        %add3A_396 = arith.constant 48 : i32
        %add3A_397 = arith.addi %mul3A_271, %add3A_396 : i32
        %swap3A_398 = arith.index_cast %add3A_397 : i32 to index
        %swap3A_399 = tpu.vector_load %arg8[%swap3A_398] {strides = array<i32>} : memref<4096xf32, #tpu.memory_space<vmem>>, vector<16xf32>,
        tpu.vector_store %arg8[%swap3A_398], %gather3A_371 {strides = array<i32>} : memref<4096xf32, #tpu.memory_space<vmem>>, vector<16xf32>,
        %add3A_400 = arith.constant 64 : i32
        %add3A_401 = arith.addi %mul3A_271, %add3A_400 : i32
        %swap3A_402 = arith.index_cast %add3A_401 : i32 to index
        %swap3A_403 = tpu.vector_load %arg8[%swap3A_402] {strides = array<i32>} : memref<4096xf32, #tpu.memory_space<vmem>>, vector<16xf32>,
        tpu.vector_store %arg8[%swap3A_402], %gather3A_372 {strides = array<i32>} : memref<4096xf32, #tpu.memory_space<vmem>>, vector<16xf32>,
        %add3A_404 = arith.constant 80 : i32
        %add3A_405 = arith.addi %mul3A_271, %add3A_404 : i32
        %swap3A_406 = arith.index_cast %add3A_405 : i32 to index
        %swap3A_407 = tpu.vector_load %arg8[%swap3A_406] {strides = array<i32>} : memref<4096xf32, #tpu.memory_space<vmem>>, vector<16xf32>,
        tpu.vector_store %arg8[%swap3A_406], %gather3A_373 {strides = array<i32>} : memref<4096xf32, #tpu.memory_space<vmem>>, vector<16xf32>,
        %add3A_408 = arith.constant 96 : i32
        %add3A_409 = arith.addi %mul3A_271, %add3A_408 : i32
        %swap3A_410 = arith.index_cast %add3A_409 : i32 to index
        %swap3A_411 = tpu.vector_load %arg8[%swap3A_410] {strides = array<i32>} : memref<4096xf32, #tpu.memory_space<vmem>>, vector<16xf32>,
        tpu.vector_store %arg8[%swap3A_410], %gather3A_374 {strides = array<i32>} : memref<4096xf32, #tpu.memory_space<vmem>>, vector<16xf32>,
        %add3A_412 = arith.constant 112 : i32
        %add3A_413 = arith.addi %mul3A_271, %add3A_412 : i32
        %swap3A_414 = arith.index_cast %add3A_413 : i32 to index
        %swap3A_415 = tpu.vector_load %arg8[%swap3A_414] {strides = array<i32>} : memref<4096xf32, #tpu.memory_space<vmem>>, vector<16xf32>,
        tpu.vector_store %arg8[%swap3A_414], %gather3A_375 {strides = array<i32>} : memref<4096xf32, #tpu.memory_space<vmem>>, vector<16xf32>,
        %add3A_416 = arith.constant 128 : i32
        %add3A_417 = arith.addi %mul3A_271, %add3A_416 : i32
        %swap3A_418 = arith.index_cast %add3A_417 : i32 to index
        %swap3A_419 = tpu.vector_load %arg8[%swap3A_418] {strides = array<i32>} : memref<4096xf32, #tpu.memory_space<vmem>>, vector<16xf32>,
        tpu.vector_store %arg8[%swap3A_418], %gather3A_376 {strides = array<i32>} : memref<4096xf32, #tpu.memory_space<vmem>>, vector<16xf32>,
        %add3A_420 = arith.constant 144 : i32
        %add3A_421 = arith.addi %mul3A_271, %add3A_420 : i32
        %swap3A_422 = arith.index_cast %add3A_421 : i32 to index
        %swap3A_423 = tpu.vector_load %arg8[%swap3A_422] {strides = array<i32>} : memref<4096xf32, #tpu.memory_space<vmem>>, vector<16xf32>,
        tpu.vector_store %arg8[%swap3A_422], %gather3A_377 {strides = array<i32>} : memref<4096xf32, #tpu.memory_space<vmem>>, vector<16xf32>,
        %add3A_424 = arith.constant 160 : i32
        %add3A_425 = arith.addi %mul3A_271, %add3A_424 : i32
        %swap3A_426 = arith.index_cast %add3A_425 : i32 to index
        %swap3A_427 = tpu.vector_load %arg8[%swap3A_426] {strides = array<i32>} : memref<4096xf32, #tpu.memory_space<vmem>>, vector<16xf32>,
        tpu.vector_store %arg8[%swap3A_426], %gather3A_378 {strides = array<i32>} : memref<4096xf32, #tpu.memory_space<vmem>>, vector<16xf32>,
        %add3A_428 = arith.constant 176 : i32
        %add3A_429 = arith.addi %mul3A_271, %add3A_428 : i32
        %swap3A_430 = arith.index_cast %add3A_429 : i32 to index
        %swap3A_431 = tpu.vector_load %arg8[%swap3A_430] {strides = array<i32>} : memref<4096xf32, #tpu.memory_space<vmem>>, vector<16xf32>,
        tpu.vector_store %arg8[%swap3A_430], %gather3A_379 {strides = array<i32>} : memref<4096xf32, #tpu.memory_space<vmem>>, vector<16xf32>,
        %add3A_432 = arith.constant 192 : i32
        %add3A_433 = arith.addi %mul3A_271, %add3A_432 : i32
        %swap3A_434 = arith.index_cast %add3A_433 : i32 to index
        %swap3A_435 = tpu.vector_load %arg8[%swap3A_434] {strides = array<i32>} : memref<4096xf32, #tpu.memory_space<vmem>>, vector<16xf32>,
        tpu.vector_store %arg8[%swap3A_434], %gather3A_380 {strides = array<i32>} : memref<4096xf32, #tpu.memory_space<vmem>>, vector<16xf32>,
        %add3A_436 = arith.constant 208 : i32
        %add3A_437 = arith.addi %mul3A_271, %add3A_436 : i32
        %swap3A_438 = arith.index_cast %add3A_437 : i32 to index
        %swap3A_439 = tpu.vector_load %arg8[%swap3A_438] {strides = array<i32>} : memref<4096xf32, #tpu.memory_space<vmem>>, vector<16xf32>,
        tpu.vector_store %arg8[%swap3A_438], %gather3A_381 {strides = array<i32>} : memref<4096xf32, #tpu.memory_space<vmem>>, vector<16xf32>,
        %add3A_440 = arith.constant 224 : i32
        %add3A_441 = arith.addi %mul3A_271, %add3A_440 : i32
        %swap3A_442 = arith.index_cast %add3A_441 : i32 to index
        %swap3A_443 = tpu.vector_load %arg8[%swap3A_442] {strides = array<i32>} : memref<4096xf32, #tpu.memory_space<vmem>>, vector<16xf32>,
        tpu.vector_store %arg8[%swap3A_442], %gather3A_382 {strides = array<i32>} : memref<4096xf32, #tpu.memory_space<vmem>>, vector<16xf32>,
        %add3A_444 = arith.constant 240 : i32
        %add3A_445 = arith.addi %mul3A_271, %add3A_444 : i32
        %swap3A_446 = arith.index_cast %add3A_445 : i32 to index
        %swap3A_447 = tpu.vector_load %arg8[%swap3A_446] {strides = array<i32>} : memref<4096xf32, #tpu.memory_space<vmem>>, vector<16xf32>,
        tpu.vector_store %arg8[%swap3A_446], %gather3A_383 {strides = array<i32>} : memref<4096xf32, #tpu.memory_space<vmem>>, vector<16xf32>,
      }
      %scan3A_73 = arith.constant 16 : i32
      %dma_start3A_74 = arith.constant 12288 : i32
      %dma_start3A_75 = tpu.memref_slice %arg4[%rem3A_7, %add3A, %dma_start3A_74] : memref<26x32x16384xf32, #tpu.memory_space<hbm>> -> memref<1x1x4096xf32, #tpu.memory_space<hbm>>
      %dma_start3A_76 = tpu.memref_squeeze %dma_start3A_75 : memref<1x1x4096xf32, #tpu.memory_space<hbm>> -> memref<4096xf32, #tpu.memory_space<hbm>>
      %dma_start3A_77 = arith.constant 12288 : i32
      %dma_start3A_78 = tpu.memref_slice %arg4[%rem3A_7, %add3A, %dma_start3A_77] : memref<26x32x16384xf32, #tpu.memory_space<hbm>> -> memref<1x1x4096xf32, #tpu.memory_space<hbm>>
      %dma_start3A_79 = tpu.memref_squeeze %dma_start3A_78 : memref<1x1x4096xf32, #tpu.memory_space<hbm>> -> memref<4096xf32, #tpu.memory_space<hbm>>
      tpu.enqueue_dma source(%arg8 : memref<4096xf32, #tpu.memory_space<vmem>>) target(%dma_start3A_79 : memref<4096xf32, #tpu.memory_space<hbm>>) target_semaphore(%arg11 : memref<!tpu.dma_semaphore, #tpu.memory_space<semaphore_mem>>)
      %dma_wait3A_80 = arith.constant 8192 : i32
      %dma_wait3A_81 = tpu.memref_slice %arg4[%rem3A_7, %add3A, %dma_wait3A_80] : memref<26x32x16384xf32, #tpu.memory_space<hbm>> -> memref<1x1x4096xf32, #tpu.memory_space<hbm>>
      %dma_wait3A_82 = tpu.memref_squeeze %dma_wait3A_81 : memref<1x1x4096xf32, #tpu.memory_space<hbm>> -> memref<4096xf32, #tpu.memory_space<hbm>>
      %dma_wait3A_83 = arith.constant 8192 : i32
      %dma_wait3A_84 = tpu.memref_slice %arg4[%rem3A_7, %add3A, %dma_wait3A_83] : memref<26x32x16384xf32, #tpu.memory_space<hbm>> -> memref<1x1x4096xf32, #tpu.memory_space<hbm>>
      %dma_wait3A_85 = tpu.memref_squeeze %dma_wait3A_84 : memref<1x1x4096xf32, #tpu.memory_space<hbm>> -> memref<4096xf32, #tpu.memory_space<hbm>>
      tpu.wait_dma2 semaphore(%arg11 : memref<!tpu.dma_semaphore, #tpu.memory_space<semaphore_mem>>) src(%arg7 : memref<4096xf32, #tpu.memory_space<vmem>>) dst(%dma_wait3A_85 : memref<4096xf32, #tpu.memory_space<hbm>>)
      %dma_wait3A_86 = arith.constant 12288 : i32
      %dma_wait3A_87 = tpu.memref_slice %arg4[%rem3A_7, %add3A, %dma_wait3A_86] : memref<26x32x16384xf32, #tpu.memory_space<hbm>> -> memref<1x1x4096xf32, #tpu.memory_space<hbm>>
      %dma_wait3A_88 = tpu.memref_squeeze %dma_wait3A_87 : memref<1x1x4096xf32, #tpu.memory_space<hbm>> -> memref<4096xf32, #tpu.memory_space<hbm>>
      %dma_wait3A_89 = arith.constant 12288 : i32
      %dma_wait3A_90 = tpu.memref_slice %arg4[%rem3A_7, %add3A, %dma_wait3A_89] : memref<26x32x16384xf32, #tpu.memory_space<hbm>> -> memref<1x1x4096xf32, #tpu.memory_space<hbm>>
      %dma_wait3A_91 = tpu.memref_squeeze %dma_wait3A_90 : memref<1x1x4096xf32, #tpu.memory_space<hbm>> -> memref<4096xf32, #tpu.memory_space<hbm>>
      tpu.wait_dma2 semaphore(%arg11 : memref<!tpu.dma_semaphore, #tpu.memory_space<semaphore_mem>>) src(%arg8 : memref<4096xf32, #tpu.memory_space<vmem>>) dst(%dma_wait3A_91 : memref<4096xf32, #tpu.memory_space<hbm>>)
    }
    %scan3A_4 = arith.constant 26 : i32
    return
  }
}

</mosaic_0001>

<sc_bundles>
// kernel: kernel.3.cloned.1.call-start
scs
__scs_entry_jumppad:
0x0: {  	(pc) =	sbr.rel $0x88, $3  }
0x1: {  	(tag) =	ssettag $0x0;
	lr =	simm.s32 $0x1  }
0x2: {  	[smem:$0x3F9F] =	sst lr;
	_ =	strace $0xD0000000  }
0x3: {  	_ = 	snop  }
0x4: {  	_ = 	snop  }
0x5: {  	_ = 	snop  }
0x6: {  	_ = 	snop  }
0x7: {  	_ = 	snop  }
__scs_overlays_trampoline_lowered:
0x8: {  	[smem:$0x3FAE] =	sst s0  }
0x9: {  	[smem:$0x3FAF] =	sst s1  }
0xa: {  	[smem:$0x3FB0] =	sst s2  }
0xb: {  	[smem:$0x3FB1] =	sst s3  }
0xc: {  	[smem:$0x3FB2] =	sst s4  }
0xd: {  	[smem:$0x3FB3] =	sst s5  }
0xe: {  	[smem:$0x3FB4] =	sst s6  }
0xf: {  	[smem:$0x3FB5] =	sst s7  }
0x10: {  	[smem:$0x3FB6] =	sst s8  }
0x11: {  	[smem:$0x3FB7] =	sst s9;
	s0 =	simm.s32 @!p0 $0x0  }
0x12: {  	s1 =	sld [smem:$0x3F9D];
	s0 =	simm.s32 @p0 $0x1  }
0x13: {  	[smem:$0x3FB8] =	sst s0;
	s0 =	simm.s32 @!p1 $0x0  }
0x14: {  	s2 =	sld [smem:$0x3F9C];
	s0 =	simm.s32 @p1 $0x1  }
0x15: {  	[smem:$0x3FB9] =	sst s0;
	s0 =	simm.s32 @!p2 $0x0  }
0x16: {  	s3 =	sld [smem:$0x3FDB];
	s0 =	simm.s32 @p2 $0x1  }
0x17: {  	s4 =	simm.s32 $0x1BF5;
	[smem:$0x3FBB] =	sst s0  }
0x18: {  	s0 =	sld [smem:$0x3F9E];
	_ =	swait.ge [sflag:s4], $0x0  }
0x19: {  	s7 =	sld [smem:$0x3F9F]  }
0x1a: {  	s8 =	sadd.s32 $0xFFFFE003, lr  }
0x1b: {  	s9 =	sadd.s32 $0xFFFFFEF7, lr;
	s5 =	simm.s32 $0xFFFFFFFF;
	p2 =	slt.u32 s8, $0xFFFFF086  }
0x1c: {  	p1 =	slt.u32 s9, $0xF7A;
	s5 =	simm.s32 @!p2 $0x0  }
0x1d: {  	s5 =	simm.s32 @p1 $0x1;
	p0 =	seq.s32 s7, s2  }
0x1e: {  	s7 =	smul.u32 @!p0 $0xF7A, s2;
	p2 =	seq.s32 @!p0 s5, $0x0  }
0x1f: {  	s9 =	smul.u32 $0xF7A, s1;
	s8 =	simm.s32 @!p0 $0x1BF5;
	p2 =	por !p2, p0  }
0x20: {  	[sflag:s8] =	ssyncset.s32 @!p0 $0xFFFFF086;
	s6 =	sadd.s32 @!p0 s3, s7;
	s7 =	simm.s32 @!p0 $0x108  }
0x21: {  	s3 =	sadd.s32 s3, s9;
	s6 =	sadd.s32 @!p0 $0x88, s6;
	s7 =	simm.s32 @p2 $0x1082  }
0x22: {  	[simem:s7], [sflag:s8] =	dma.local @!p0 [hbm:s6], $0xF7A  }
0x23: {  	s9 =	sor.u32 $0xD0000000, s2;
	s6 =	simm.s32 $0x108;
	_ =	swait.ge @!p0 [sflag:s8], $0x0  }
0x24: {  	s3 =	sadd.s32 $0x88, s3;
	s6 =	simm.s32 @!p1 $0x1082;
	[sflag:s4] =	ssyncset.s32 $0xFFFFF086  }
0x25: {  	[simem:s6], [sflag:s4] =	dma.local [hbm:s3], $0xF7A  }
0x26: {  	[smem:$0x3F9F] =	sst s1;
	(tag) =	ssettag s2;
	_ =	strace s9  }
0x27: {  	s1 =	sld [smem:$0x3FAF]  }
0x28: {  	s2 =	sld [smem:$0x3FB0]  }
0x29: {  	s4 =	sld [smem:$0x3FB2]  }
0x2a: {  	p0 =	seq.s32 s5, $0x0;
	s5 =	sld [smem:$0x3FB3]  }
0x2b: {  	s6 =	sld [smem:$0x3FB4]  }
0x2c: {  	s7 =	sld [smem:$0x3FB5]  }
0x2d: {  	s3 =	simm.s32 $0x108;
	s8 =	sld [smem:$0x3FB6]  }
0x2e: {  	s3 =	simm.s32 @!p0 $0x1082;
	s9 =	sld [smem:$0x3FB7]  }
0x2f: {  	lr =	sadd.s32 s0, s3;
	s0 =	sld [smem:$0x3FAE]  }
0x30: {  	s3 =	sld [smem:$0x3FB1]  }
0x31: {  	[smem:$0x3FBA] =	sst s10  }
0x32: {  	s10 =	sld [smem:$0x3FB8];
	_ =	sdelay $0x3  }
0x33: {  	p0 =	seq.s32 s10, $0x1;
	s10 =	sld [smem:$0x3FBA];
	_ =	sdelay $0x3  }
0x34: {  	[smem:$0x3FBA] =	sst s10  }
0x35: {  	s10 =	sld [smem:$0x3FB9];
	_ =	sdelay $0x3  }
0x36: {  	p1 =	seq.s32 s10, $0x1;
	s10 =	sld [smem:$0x3FBA];
	_ =	sdelay $0x3  }
0x37: {  	[smem:$0x3FBA] =	sst s10  }
0x38: {  	s10 =	sld [smem:$0x3FBB]  }
0x39: {  	_ = 	snop;
	(pc) =	sbr.ind lr, $3  }
0x3a: {  	_ = 	snop  }
0x3b: {  	_ = 	snop  }
0x3c: {  	p2 =	seq.s32 s10, $0x1;
	s10 =	sld [smem:$0x3FBA]  }
0x3d: {  	_ =	shalt  }
0x3e: {  	_ =	shalt  }
0x3f: {  	_ =	shalt  }
0x40: {  	_ =	shalt  }
0x41: {  	_ =	shalt  }
0x42: {  	_ =	shalt  }
0x43: {  	_ =	shalt  }
0x44: {  	_ =	shalt  }
0x45: {  	_ =	shalt  }
0x46: {  	_ =	shalt  }
0x47: {  	_ =	shalt  }
0x48: {  	_ =	shalt  }
0x49: {  	_ =	shalt  }
0x4a: {  	_ =	shalt  }
0x4b: {  	_ =	shalt  }
0x4c: {  	_ =	shalt  }
0x4d: {  	_ =	shalt  }
0x4e: {  	_ =	shalt  }
0x4f: {  	_ =	shalt  }
0x50: {  	_ =	shalt  }
0x51: {  	_ =	shalt  }
0x52: {  	_ =	shalt  }
0x53: {  	_ =	shalt  }
0x54: {  	_ =	shalt  }
0x55: {  	_ =	shalt  }
0x56: {  	_ =	shalt  }
0x57: {  	_ =	shalt  }
0x58: {  	_ =	shalt  }
0x59: {  	_ =	shalt  }
0x5a: {  	_ =	shalt  }
0x5b: {  	_ =	shalt  }
0x5c: {  	_ =	shalt  }
0x5d: {  	_ =	shalt  }
0x5e: {  	_ =	shalt  }
0x5f: {  	_ =	shalt  }
0x60: {  	_ =	shalt  }
0x61: {  	_ =	shalt  }
0x62: {  	_ =	shalt  }
0x63: {  	_ =	shalt  }
0x64: {  	_ =	shalt  }
0x65: {  	_ =	shalt  }
0x66: {  	_ =	shalt  }
0x67: {  	_ =	shalt  }
0x68: {  	_ =	shalt  }
0x69: {  	_ =	shalt  }
0x6a: {  	_ =	shalt  }
0x6b: {  	_ =	shalt  }
0x6c: {  	_ =	shalt  }
0x6d: {  	_ =	shalt  }
0x6e: {  	_ =	shalt  }
0x6f: {  	_ =	shalt  }
0x70: {  	_ =	shalt  }
0x71: {  	_ =	shalt  }
0x72: {  	_ =	shalt  }
0x73: {  	_ =	shalt  }
0x74: {  	_ =	shalt  }
0x75: {  	_ =	shalt  }
0x76: {  	_ =	shalt  }
0x77: {  	_ =	shalt  }
0x78: {  	_ =	shalt  }
0x79: {  	_ =	shalt  }
0x7a: {  	_ =	shalt  }
0x7b: {  	_ =	shalt  }
0x7c: {  	_ =	shalt  }
0x7d: {  	_ =	shalt  }
0x7e: {  	_ =	shalt  }
0x7f: {  	_ =	shalt  }
0x80: {  	_ =	shalt  }
0x81: {  	_ =	shalt  }
0x82: {  	_ =	shalt  }
0x83: {  	_ =	shalt  }
0x84: {  	_ =	shalt  }
0x85: {  	_ =	shalt  }
0x86: {  	_ =	shalt  }
0x87: {  	_ =	shalt  }
.Lfunc_end0:
.L_simem_size_0:
called_computation_lowered:
.L_overlay_start_0:
0x88: {  	s2 =	sld [smem:$0x3FD9]  }
0x89: {  	s3 =	sld [smem:$0x3FFE];
	_ =	sdelay $0x1  }
0x8a: {  	s1 =	srdreg.scid  }
0x8b: {  	s0 =	sand.u32 $0x1, s1  }
0x8c: {  	s17 =	sshll.u32 s0, $0xA;
	s2 =	sadd.s32 s3, s2  }
0x8d: {  	s2 =	sadd.s32 s2, s17  }
0x8e: {  	[smem:$0x3FC6] =	sst s2  }
0x8f: {  	_ = 	snop  }
0x90: {  	s2 =	sld [smem:$0x3FC8]  }
0x91: {  	s18 =	sld [smem:$0x3FD0];
	(tm) =	ssettm $0x1  }
0x92: {  	s4 =	sld [smem:$0x3FFB];
	_ =	sdelay $0x3  }
0x93: {  	_ =	strace s4  }
0x94: {  	s4 =	sld [smem:$0x3FFC];
	_ =	sdelay $0x3  }
0x95: {  	_ =	strace s4  }
0x96: {  	s4 =	sld [smem:$0x3FFD];
	_ =	sdelay $0x3  }
0x97: {  	_ =	strace s4  }
0x98: {  	_ =	strace $0x8FFFFFFF  }
0x99: {  	s19 =	sld [smem:$0x3FDB];
	_ =	sdelay $0x1  }
0x9a: {  	s5 =	simm.s32 $_scs_section_size  }
0x9b: {  	s6 =	simm.s32 $_size__tile_overlayer_lowered;
	s7 =	simm.s32 $_tile_overlayer_lowered  }
0x9c: {  	s22 =	simm.s32 $0x1BFF;
	s21 =	sshll.u32 s7, $0x1;
	s4 =	sadd.s32 s5, s19  }
0x9d: {  	s8 =	simm.s32 $0x0;
	s20 =	sshll.u32 s6, $0x1;
	s6 =	sadd.s32 s21, s4  }
0x9e: {  	[timem:s8], [sflag:s22] =	dma.local [hbm:s6], s20  }
0x9f: {  	_ =	swait.ge [sflag:s22], s20  }
0xa0: {  	s5 =	ssub.s32 $0x0, s20;
	[sflag:s22] =	ssyncset.done $0x0  }
0xa1: {  	[sflag:s22] =	ssyncadd.s32 s5;
	_ =	sdelay $0x1  }
0xa2: {  	s23 =	simm.s32 $0x1B8B  }
0xa3: {  	_ =	swait.ge [sflag:s23], $0x1  }
0xa4: {  	[sflag:s23] =	ssyncset.done $0x0  }
0xa5: {  	s25 =	simm.s32 $0x1B8E;
	s24 =	sld [smem:$0x3FFE];
	[sflag:s23] =	ssyncadd.s32 $0xFFFFFFFF  }
0xa6: {  	s26 =	simm.s32 $execute0_lowered;
	[smem:$0x3FD2] =	sst s25  }
0xa7: {  	s6 =	sshll.u32 s26, $0x1;
	_ =	strace $0x80000046;
	[dreg:$0x1] =	wrdreg $0xFFFFFFFF  }
0xa8: {  	s28 =	simm.s32 $_size_execute0_lowered;
	s4 =	sadd.s32 s4, s6;
	[dreg:$0x0] =	wrdreg $0x0  }
0xa9: {  	s6 =	sshll.u32 s28, $0x1;
	[dreg:$0x2] =	wrdreg s4  }
0xaa: {  	[dreg:$0x3] =	wrdreg s6  }
0xab: {  	[dreg:$0x4] =	wrdreg $0xC0  }
0xac: {  	_ =	task [dreg:s8], $0x5FFFF  }
0xad: {  	[dreg:$0x1] =	wrdreg $0xFFFFFFFF  }
0xae: {  	[dreg:$0x0] =	wrdreg $0x60  }
0xaf: {  	[dreg:$0x2] =	wrdreg s24  }
0xb0: {  	[dreg:$0x3] =	wrdreg s2  }
0xb1: {  	[dreg:$0x4] =	wrdreg s18  }
0xb2: {  	[dreg:$0x5] =	wrdreg $0x9  }
0xb3: {  	_ =	task.clear_ibuf [dreg:s8], $0x6FFFF;
	_ =	strace $0x90000046  }
0xb4: {  	s29 =	simm.s32 $0x9;
	_ =	strace $0x80000048  }
0xb5: {  	_ =	swait.ge [sflag:s29], $0x1  }
0xb6: {  	[sflag:s29] =	ssyncadd.s32 $0xFFFFFFFF  }
0xb7: {  	_ =	strace $0x90000048  }
0xb8: {  	_ =	sfence  }
0xb9: {  	s30 =	sld [smem:$0x0];
	_ =	sdelay $0x2  }
0xba: {  	s31 =	sshll.u32 s1, $0xD;
	s1 =	sshrl.u32 s1, $0x2  }
0xbb: {  	s3 =	sand.u32 $0x4000, s31;
	s1 =	sadd.s32 s1, s30  }
0xbc: {  	s0 =	sor.u32 s3, s0;
	s1 =	sshll.u32 s1, $0x11  }
0xbd: {  	s0 =	sor.u32 s1, s0  }
0xbe: {  	s0 =	sadd.s32 $0x8F2B, s0  }
0xbf: {  	[sflag:s0] =	ssyncadd.remote.s32 $0x1  }
0xc0: {  	_ =	sfence.sel $0xFFFF  }
0xc1: {  	[dreg:$0x0] =	wrdreg $0xFFFFFFFF;
	(pc) =	sbr.abs _section_cstart, $3  }
0xc2: {  	[dreg:$0x1] =	wrdreg $0xFFFFFFFF  }
0xc3: {  	_ =	task.clear_ibuf [dreg:s8], $0x2FFFF;
	_ =	strace $0x9FFFFFFF  }
0xc4: {  	(tm) =	ssettm $0x7FFFFFFF  }
0xc5: {  	_ =	shalt  }
tec
execute0_lowered:
.L_overlay_start_1:
0x0: {  	(tag) =	ssettag $0x1  }
0x1: {  	s6 =	rddreg [dreg:$0x0]  }
0x2: {  	s1 =	rddreg [dreg:$0x1]  }
0x3: {  	s2 =	rddreg [dreg:$0x2]  }
0x4: {  	s0 =	rddreg [dreg:$0x3];
	s4 =	simm.s32 $0x0  }
0x5: {  	s5 =	srdreg.scid;
	s3 =	stileid.u32;
	s14 =	simm.s32 $0x80  }
0x6: {  	s15 =	simm.s32 $0x400;
	s16 =	simm.s32 $0x4000;
	s17 =	simm.s32 $0x1  }
0x7: {  	s18 =	simm.s32 $0x2;
	s19 =	simm.s32 $0x1C700;
	s20 =	simm.s32 $0x1D700  }
0x8: {  	s21 =	simm.s32 $0x3;
	s22 =	simm.s32 $0x0;
	[smem:$0x7FF] =	sst s4  }
0x9: {  	s5 =	sand.u32 $0x1, s5;
	s7 =	sshll.u32 s3, $0x1;
	s9 =	sshrl.u32 s3, $0x2  }
0xa: {  	s6 =	sadd.s32 $0x400, s6;
	s12 =	sadd.s32 $0x3000, s2;
	_ =	strace $0x80000047  }
0xb: {  	s8 =	ssub.s32 $0x2, s5;
	s5 =	sor.u32 s5, s7;
	s11 =	smul.u32 $0xC3800, s9  }
0xc: {  	s9 =	sshll.u32 s9, $0x11;
	s31 =	sshrl.u32 s8, $0x1;
	s10 =	sshll.u32 s5, $0x7  }
0xd: {  	s13 =	ssub.s32 s8, s31;
	s7 =	sand.u32 $0x380, s10;
	s10 =	sadd.s32 $0x1000, s2  }
0xe: {  	s8 =	sor.u32 s7, s11;
	s11 =	sadd.s32 $0x2000, s2;
	s13 =	smax.u32 s13, $0x1  }
.LBB2_1:
0xf: {  	s23 =	simm.s32 $0x0  }
.LBB2_2:
0x10: {  	s24 =	sadd.s32 s5, s23  }
0x11: {  	s25 =	smulhi.u32 $0x4EC4EC4F, s24;
	_ =	sdelay $0x1  }
0x12: {  	s25 =	sshrl.u32 s25, $0x3  }
0x13: {  	s25 =	smul.u32 $0x1A, s25;
	_ =	sdelay $0x1  }
0x14: {  	s24 =	ssub.s32 s24, s25  }
0x15: {  	s25 =	sshll.u32 s24, $0xB  }
0x16: {  	s26 =	smul.u32 $0x30E000, s24;
	s25 =	sadd.s32 s6, s25  }
0x17: {  	[tilespmem:s4], [sflag:$0x1] =	stream.linear.gather [hbm4b:s25+s4], $0x4000, $0x38;
	[tilespmem:$0x1E700] =	vst v63  }
0x18: {  	s31 =	sadd.s32 s8, s26  }
0x19: {  	s25 =	sshrl.u32 s31, $0x3  }
0x1a: {  	s25 =	sadd.s32 s1, s25  }
0x1b: {  	[tilespmem:s16], [sflag:$0x2] =	stream.strided.gather [hbm4b:s25+s14], $0x18700, s15, s14, $0x38;
	[tilespmem:$0x1E700] =	vst v63  }
0x1c: {  	_ =	swait.ge [sflag:s17], $0x4000  }
0x1d: {  	[sflag:s17] =	ssyncset.done $0x0  }
0x1e: {  	[sflag:s17] =	ssyncadd.s32 $0xFFFFC000  }
0x1f: {  	_ =	swait.ge [sflag:s18], $0x18700  }
0x20: {  	s28 =	simm.s32 $0x1C800;
	[sflag:s18] =	ssyncset.done $0x0  }
0x21: {  	s26 =	simm.s32 $0x100;
	s25 =	simm.s32 $0xFFFFFFFE;
	[sflag:s18] =	ssyncadd.s32 $0xFFFE7900  }
.LBB2_3:
0x22: {  	v0 =	vld [tilespmem:s26+$0xFFFFFF00]  }
0x23: {  	v1 =	vld [tilespmem:s26+$0xFFFFFF10]  }
0x24: {  	v2 =	vld [tilespmem:s26+$0xFFFFFF20]  }
0x25: {  	v3 =	vld [tilespmem:s26+$0xFFFFFF30]  }
0x26: {  	v4 =	vld [tilespmem:s26+$0xFFFFFF40]  }
0x27: {  	v5 =	vld [tilespmem:s26+$0xFFFFFF50]  }
0x28: {  	v6 =	vld [tilespmem:s26+$0xFFFFFF60]  }
0x29: {  	v7 =	vld [tilespmem:s26+$0xFFFFFF70]  }
0x2a: {  	v8 =	vld [tilespmem:s26+$0xFFFFFF80]  }
0x2b: {  	v9 =	vld [tilespmem:s26+$0xFFFFFF90]  }
0x2c: {  	v10 =	vld [tilespmem:s26+$0xFFFFFFA0]  }
0x2d: {  	v11 =	vld [tilespmem:s26+$0xFFFFFFB0]  }
0x2e: {  	v12 =	vld [tilespmem:s26+$0xFFFFFFC0]  }
0x2f: {  	v13 =	vld [tilespmem:s26+$0xFFFFFFD0]  }
0x30: {  	v14 =	vld [tilespmem:s26+$0xFFFFFFE0]  }
0x31: {  	v15 =	vld [tilespmem:s26+$0xFFFFFFF0]  }
0x32: {  	v0 =	vld.idx.msk [tilespmem:v0+s16+$0x0], $0xffff  }
0x33: {  	v1 =	vld.idx.msk [tilespmem:v1+s16+$0x0], $0xffff  }
0x34: {  	v2 =	vld.idx.msk [tilespmem:v2+s16+$0x0], $0xffff  }
0x35: {  	v3 =	vld.idx.msk [tilespmem:v3+s16+$0x0], $0xffff  }
0x36: {  	v4 =	vld.idx.msk [tilespmem:v4+s16+$0x0], $0xffff  }
0x37: {  	v5 =	vld.idx.msk [tilespmem:v5+s16+$0x0], $0xffff  }
0x38: {  	v6 =	vld.idx.msk [tilespmem:v6+s16+$0x0], $0xffff  }
0x39: {  	v7 =	vld.idx.msk [tilespmem:v7+s16+$0x0], $0xffff  }
0x3a: {  	v8 =	vld.idx.msk [tilespmem:v8+s16+$0x0], $0xffff  }
0x3b: {  	v9 =	vld.idx.msk [tilespmem:v9+s16+$0x0], $0xffff  }
0x3c: {  	v10 =	vld.idx.msk [tilespmem:v10+s16+$0x0], $0xffff  }
0x3d: {  	v11 =	vld.idx.msk [tilespmem:v11+s16+$0x0], $0xffff  }
0x3e: {  	v12 =	vld.idx.msk [tilespmem:v12+s16+$0x0], $0xffff  }
0x3f: {  	v13 =	vld.idx.msk [tilespmem:v13+s16+$0x0], $0xffff  }
0x40: {  	v14 =	vld.idx.msk [tilespmem:v14+s16+$0x0], $0xffff  }
0x41: {  	v15 =	vld.idx.msk [tilespmem:v15+s16+$0x0], $0xffff;
	[tilespmem:s28+$0xFFFFFF00] =	vst v0  }
0x42: {  	[tilespmem:s28+$0xFFFFFF10] =	vst v1  }
0x43: {  	[tilespmem:s28+$0xFFFFFF20] =	vst v2  }
0x44: {  	[tilespmem:s28+$0xFFFFFF30] =	vst v3  }
0x45: {  	[tilespmem:s28+$0xFFFFFF40] =	vst v4  }
0x46: {  	[tilespmem:s28+$0xFFFFFF50] =	vst v5  }
0x47: {  	[tilespmem:s28+$0xFFFFFF60] =	vst v6  }
0x48: {  	[tilespmem:s28+$0xFFFFFF70] =	vst v7  }
0x49: {  	[tilespmem:s28+$0xFFFFFF80] =	vst v8  }
0x4a: {  	[tilespmem:s28+$0xFFFFFF90] =	vst v9  }
0x4b: {  	[tilespmem:s28+$0xFFFFFFA0] =	vst v10  }
0x4c: {  	[tilespmem:s28+$0xFFFFFFB0] =	vst v11  }
0x4d: {  	[tilespmem:s28+$0xFFFFFFC0] =	vst v12  }
0x4e: {  	[tilespmem:s28+$0xFFFFFFD0] =	vst v13  }
0x4f: {  	[tilespmem:s28+$0xFFFFFFE0] =	vst v14  }
0x50: {  	[tilespmem:s28+$0xFFFFFFF0] =	vst v15  }
0x51: {  	v0 =	vld [tilespmem:s26+$0x0]  }
0x52: {  	v1 =	vld [tilespmem:s26+$0x10]  }
0x53: {  	v2 =	vld [tilespmem:s26+$0x20]  }
0x54: {  	v3 =	vld [tilespmem:s26+$0x30]  }
0x55: {  	v4 =	vld [tilespmem:s26+$0x40]  }
0x56: {  	v5 =	vld [tilespmem:s26+$0x50]  }
0x57: {  	v6 =	vld [tilespmem:s26+$0x60]  }
0x58: {  	v7 =	vld [tilespmem:s26+$0x70]  }
0x59: {  	v8 =	vld [tilespmem:s26+$0x80]  }
0x5a: {  	v9 =	vld [tilespmem:s26+$0x90]  }
0x5b: {  	v10 =	vld [tilespmem:s26+$0xA0]  }
0x5c: {  	v11 =	vld [tilespmem:s26+$0xB0]  }
0x5d: {  	v12 =	vld [tilespmem:s26+$0xC0]  }
0x5e: {  	v13 =	vld [tilespmem:s26+$0xD0]  }
0x5f: {  	v14 =	vld [tilespmem:s26+$0xE0]  }
0x60: {  	v15 =	vld [tilespmem:s26+$0xF0]  }
0x61: {  	v0 =	vld.idx.msk [tilespmem:v0+s16+$0x0], $0xffff  }
0x62: {  	v1 =	vld.idx.msk [tilespmem:v1+s16+$0x0], $0xffff  }
0x63: {  	v2 =	vld.idx.msk [tilespmem:v2+s16+$0x0], $0xffff  }
0x64: {  	v3 =	vld.idx.msk [tilespmem:v3+s16+$0x0], $0xffff  }
0x65: {  	v4 =	vld.idx.msk [tilespmem:v4+s16+$0x0], $0xffff  }
0x66: {  	v5 =	vld.idx.msk [tilespmem:v5+s16+$0x0], $0xffff  }
0x67: {  	v6 =	vld.idx.msk [tilespmem:v6+s16+$0x0], $0xffff  }
0x68: {  	v7 =	vld.idx.msk [tilespmem:v7+s16+$0x0], $0xffff  }
0x69: {  	v8 =	vld.idx.msk [tilespmem:v8+s16+$0x0], $0xffff  }
0x6a: {  	v9 =	vld.idx.msk [tilespmem:v9+s16+$0x0], $0xffff  }
0x6b: {  	v10 =	vld.idx.msk [tilespmem:v10+s16+$0x0], $0xffff  }
0x6c: {  	v11 =	vld.idx.msk [tilespmem:v11+s16+$0x0], $0xffff  }
0x6d: {  	v12 =	vld.idx.msk [tilespmem:v12+s16+$0x0], $0xffff  }
0x6e: {  	v13 =	vld.idx.msk [tilespmem:v13+s16+$0x0], $0xffff  }
0x6f: {  	v14 =	vld.idx.msk [tilespmem:v14+s16+$0x0], $0xffff  }
0x70: {  	v15 =	vld.idx.msk [tilespmem:v15+s16+$0x0], $0xffff;
	[tilespmem:s28+$0x0] =	vst v0  }
0x71: {  	[tilespmem:s28+$0x10] =	vst v1  }
0x72: {  	[tilespmem:s28+$0x20] =	vst v2  }
0x73: {  	[tilespmem:s28+$0x30] =	vst v3  }
0x74: {  	[tilespmem:s28+$0x40] =	vst v4  }
0x75: {  	[tilespmem:s28+$0x50] =	vst v5  }
0x76: {  	[tilespmem:s28+$0x60] =	vst v6  }
0x77: {  	[tilespmem:s28+$0x70] =	vst v7  }
0x78: {  	[tilespmem:s28+$0x80] =	vst v8  }
0x79: {  	s25 =	sadd.s32 $0x2, s25;
	[tilespmem:s28+$0x90] =	vst v9  }
0x7a: {  	p0 =	slt.u32 s25, $0xE;
	[tilespmem:s28+$0xA0] =	vst v10  }
.Ltmp0:
0x7b: {  	[tilespmem:s28+$0xB0] =	vst v11;
	(pc) =	sbr.rel @p0 .LBB2_3-.Ltmp0, $4  }
0x7c: {  	[tilespmem:s28+$0xC0] =	vst v12  }
0x7d: {  	[tilespmem:s28+$0xD0] =	vst v13  }
0x7e: {  	[tilespmem:s28+$0xE0] =	vst v14  }
0x7f: {  	s26 =	sadd.s32 $0x200, s26;
	[tilespmem:s28+$0xF0] =	vst v15;
	s28 =	sadd.s32 $0x200, s28  }
0x80: {  	s24 =	sshll.u32 s24, $0x13  }
0x81: {  	s24 =	sor.u32 s24, s9  }
0x82: {  	s24 =	sor.u32 s7, s24  }
0x83: {  	s24 =	sshrl.u32 s24, $0x3  }
0x84: {  	s25 =	sadd.s32 s2, s24  }
0x85: {  	[hbm4b:s25+s14] =	stream.strided.scatter [tilespmem:s19], [sflag:$0x3], $0x1000, s15, s14, $0x38;
	[tilespmem:$0x1E700] =	vst v63  }
0x86: {  	s26 =	simm.s32 $0x11F0;
	s28 =	simm.s32 $0x1D800;
	s25 =	simm.s32 $0xFFFFFFFE  }
.LBB2_5:
0x87: {  	v0 =	vld [tilespmem:s26+$0xFFFFFE10]  }
0x88: {  	v1 =	vld [tilespmem:s26+$0xFFFFFE20]  }
0x89: {  	v2 =	vld [tilespmem:s26+$0xFFFFFE30]  }
0x8a: {  	v3 =	vld [tilespmem:s26+$0xFFFFFE40]  }
0x8b: {  	v4 =	vld [tilespmem:s26+$0xFFFFFE50]  }
0x8c: {  	v5 =	vld [tilespmem:s26+$0xFFFFFE60]  }
0x8d: {  	v6 =	vld [tilespmem:s26+$0xFFFFFE70]  }
0x8e: {  	v7 =	vld [tilespmem:s26+$0xFFFFFE80]  }
0x8f: {  	v8 =	vld [tilespmem:s26+$0xFFFFFE90]  }
0x90: {  	v9 =	vld [tilespmem:s26+$0xFFFFFEA0]  }
0x91: {  	v10 =	vld [tilespmem:s26+$0xFFFFFEB0]  }
0x92: {  	v11 =	vld [tilespmem:s26+$0xFFFFFEC0]  }
0x93: {  	v12 =	vld [tilespmem:s26+$0xFFFFFED0]  }
0x94: {  	v13 =	vld [tilespmem:s26+$0xFFFFFEE0]  }
0x95: {  	v14 =	vld [tilespmem:s26+$0xFFFFFEF0]  }
0x96: {  	v15 =	vld [tilespmem:s26+$0xFFFFFF00]  }
0x97: {  	v0 =	vld.idx.msk [tilespmem:v0+s16+$0x0], $0xffff  }
0x98: {  	v1 =	vld.idx.msk [tilespmem:v1+s16+$0x0], $0xffff  }
0x99: {  	v2 =	vld.idx.msk [tilespmem:v2+s16+$0x0], $0xffff  }
0x9a: {  	v3 =	vld.idx.msk [tilespmem:v3+s16+$0x0], $0xffff  }
0x9b: {  	v4 =	vld.idx.msk [tilespmem:v4+s16+$0x0], $0xffff  }
0x9c: {  	v5 =	vld.idx.msk [tilespmem:v5+s16+$0x0], $0xffff  }
0x9d: {  	v6 =	vld.idx.msk [tilespmem:v6+s16+$0x0], $0xffff  }
0x9e: {  	v7 =	vld.idx.msk [tilespmem:v7+s16+$0x0], $0xffff  }
0x9f: {  	v8 =	vld.idx.msk [tilespmem:v8+s16+$0x0], $0xffff  }
0xa0: {  	v9 =	vld.idx.msk [tilespmem:v9+s16+$0x0], $0xffff  }
0xa1: {  	v10 =	vld.idx.msk [tilespmem:v10+s16+$0x0], $0xffff  }
0xa2: {  	v11 =	vld.idx.msk [tilespmem:v11+s16+$0x0], $0xffff  }
0xa3: {  	v12 =	vld.idx.msk [tilespmem:v12+s16+$0x0], $0xffff  }
0xa4: {  	v13 =	vld.idx.msk [tilespmem:v13+s16+$0x0], $0xffff  }
0xa5: {  	v14 =	vld.idx.msk [tilespmem:v14+s16+$0x0], $0xffff  }
0xa6: {  	v15 =	vld.idx.msk [tilespmem:v15+s16+$0x0], $0xffff;
	[tilespmem:s28+$0xFFFFFF00] =	vst v0  }
0xa7: {  	[tilespmem:s28+$0xFFFFFF10] =	vst v1  }
0xa8: {  	[tilespmem:s28+$0xFFFFFF20] =	vst v2  }
0xa9: {  	[tilespmem:s28+$0xFFFFFF30] =	vst v3  }
0xaa: {  	[tilespmem:s28+$0xFFFFFF40] =	vst v4  }
0xab: {  	[tilespmem:s28+$0xFFFFFF50] =	vst v5  }
0xac: {  	[tilespmem:s28+$0xFFFFFF60] =	vst v6  }
0xad: {  	[tilespmem:s28+$0xFFFFFF70] =	vst v7  }
0xae: {  	[tilespmem:s28+$0xFFFFFF80] =	vst v8  }
0xaf: {  	[tilespmem:s28+$0xFFFFFF90] =	vst v9  }
0xb0: {  	[tilespmem:s28+$0xFFFFFFA0] =	vst v10  }
0xb1: {  	[tilespmem:s28+$0xFFFFFFB0] =	vst v11  }
0xb2: {  	[tilespmem:s28+$0xFFFFFFC0] =	vst v12  }
0xb3: {  	[tilespmem:s28+$0xFFFFFFD0] =	vst v13  }
0xb4: {  	[tilespmem:s28+$0xFFFFFFE0] =	vst v14  }
0xb5: {  	[tilespmem:s28+$0xFFFFFFF0] =	vst v15  }
0xb6: {  	v0 =	vld [tilespmem:s26+$0xFFFFFF10]  }
0xb7: {  	v1 =	vld [tilespmem:s26+$0xFFFFFF20]  }
0xb8: {  	v2 =	vld [tilespmem:s26+$0xFFFFFF30]  }
0xb9: {  	v3 =	vld [tilespmem:s26+$0xFFFFFF40]  }
0xba: {  	v4 =	vld [tilespmem:s26+$0xFFFFFF50]  }
0xbb: {  	v5 =	vld [tilespmem:s26+$0xFFFFFF60]  }
0xbc: {  	v6 =	vld [tilespmem:s26+$0xFFFFFF70]  }
0xbd: {  	v7 =	vld [tilespmem:s26+$0xFFFFFF80]  }
0xbe: {  	v8 =	vld [tilespmem:s26+$0xFFFFFF90]  }
0xbf: {  	v9 =	vld [tilespmem:s26+$0xFFFFFFA0]  }
0xc0: {  	v10 =	vld [tilespmem:s26+$0xFFFFFFB0]  }
0xc1: {  	v11 =	vld [tilespmem:s26+$0xFFFFFFC0]  }
0xc2: {  	v12 =	vld [tilespmem:s26+$0xFFFFFFD0]  }
0xc3: {  	v13 =	vld [tilespmem:s26+$0xFFFFFFE0]  }
0xc4: {  	v14 =	vld [tilespmem:s26+$0xFFFFFFF0]  }
0xc5: {  	v15 =	vld [tilespmem:s26+$0x0]  }
0xc6: {  	v0 =	vld.idx.msk [tilespmem:v0+s16+$0x0], $0xffff  }
0xc7: {  	v1 =	vld.idx.msk [tilespmem:v1+s16+$0x0], $0xffff  }
0xc8: {  	v2 =	vld.idx.msk [tilespmem:v2+s16+$0x0], $0xffff  }
0xc9: {  	v3 =	vld.idx.msk [tilespmem:v3+s16+$0x0], $0xffff  }
0xca: {  	v4 =	vld.idx.msk [tilespmem:v4+s16+$0x0], $0xffff  }
0xcb: {  	v5 =	vld.idx.msk [tilespmem:v5+s16+$0x0], $0xffff  }
0xcc: {  	v6 =	vld.idx.msk [tilespmem:v6+s16+$0x0], $0xffff  }
0xcd: {  	v7 =	vld.idx.msk [tilespmem:v7+s16+$0x0], $0xffff  }
0xce: {  	v8 =	vld.idx.msk [tilespmem:v8+s16+$0x0], $0xffff  }
0xcf: {  	v9 =	vld.idx.msk [tilespmem:v9+s16+$0x0], $0xffff  }
0xd0: {  	v10 =	vld.idx.msk [tilespmem:v10+s16+$0x0], $0xffff  }
0xd1: {  	v11 =	vld.idx.msk [tilespmem:v11+s16+$0x0], $0xffff  }
0xd2: {  	v12 =	vld.idx.msk [tilespmem:v12+s16+$0x0], $0xffff  }
0xd3: {  	v13 =	vld.idx.msk [tilespmem:v13+s16+$0x0], $0xffff  }
0xd4: {  	v14 =	vld.idx.msk [tilespmem:v14+s16+$0x0], $0xffff  }
0xd5: {  	v15 =	vld.idx.msk [tilespmem:v15+s16+$0x0], $0xffff;
	[tilespmem:s28+$0x0] =	vst v0  }
0xd6: {  	[tilespmem:s28+$0x10] =	vst v1  }
0xd7: {  	[tilespmem:s28+$0x20] =	vst v2  }
0xd8: {  	[tilespmem:s28+$0x30] =	vst v3  }
0xd9: {  	[tilespmem:s28+$0x40] =	vst v4  }
0xda: {  	[tilespmem:s28+$0x50] =	vst v5  }
0xdb: {  	[tilespmem:s28+$0x60] =	vst v6  }
0xdc: {  	[tilespmem:s28+$0x70] =	vst v7  }
0xdd: {  	[tilespmem:s28+$0x80] =	vst v8  }
0xde: {  	s25 =	sadd.s32 $0x2, s25;
	[tilespmem:s28+$0x90] =	vst v9  }
0xdf: {  	p0 =	slt.u32 s25, $0xE;
	[tilespmem:s28+$0xA0] =	vst v10  }
.Ltmp1:
0xe0: {  	[tilespmem:s28+$0xB0] =	vst v11;
	(pc) =	sbr.rel @p0 .LBB2_5-.Ltmp1, $4  }
0xe1: {  	[tilespmem:s28+$0xC0] =	vst v12  }
0xe2: {  	[tilespmem:s28+$0xD0] =	vst v13  }
0xe3: {  	[tilespmem:s28+$0xE0] =	vst v14  }
0xe4: {  	s26 =	sadd.s32 $0x200, s26;
	[tilespmem:s28+$0xF0] =	vst v15;
	s28 =	sadd.s32 $0x200, s28  }
0xe5: {  	s25 =	sadd.s32 s24, s10  }
0xe6: {  	[hbm4b:s25+s14] =	stream.strided.scatter [tilespmem:s20], [sflag:$0x3], $0x1000, s15, s14, $0x38;
	[tilespmem:$0x1E700] =	vst v63  }
0xe7: {  	_ =	swait.ge [sflag:s21], $0x1000  }
0xe8: {  	s26 =	simm.s32 $0x21F0;
	[sflag:s21] =	ssyncset.done $0x0  }
0xe9: {  	s28 =	simm.s32 $0x1C800;
	s25 =	simm.s32 $0xFFFFFFFE;
	[sflag:s21] =	ssyncadd.s32 $0xFFFFF000  }
.LBB2_7:
0xea: {  	v0 =	vld [tilespmem:s26+$0xFFFFFE10]  }
0xeb: {  	v1 =	vld [tilespmem:s26+$0xFFFFFE20]  }
0xec: {  	v2 =	vld [tilespmem:s26+$0xFFFFFE30]  }
0xed: {  	v3 =	vld [tilespmem:s26+$0xFFFFFE40]  }
0xee: {  	v4 =	vld [tilespmem:s26+$0xFFFFFE50]  }
0xef: {  	v5 =	vld [tilespmem:s26+$0xFFFFFE60]  }
0xf0: {  	v6 =	vld [tilespmem:s26+$0xFFFFFE70]  }
0xf1: {  	v7 =	vld [tilespmem:s26+$0xFFFFFE80]  }
0xf2: {  	v8 =	vld [tilespmem:s26+$0xFFFFFE90]  }
0xf3: {  	v9 =	vld [tilespmem:s26+$0xFFFFFEA0]  }
0xf4: {  	v10 =	vld [tilespmem:s26+$0xFFFFFEB0]  }
0xf5: {  	v11 =	vld [tilespmem:s26+$0xFFFFFEC0]  }
0xf6: {  	v12 =	vld [tilespmem:s26+$0xFFFFFED0]  }
0xf7: {  	v13 =	vld [tilespmem:s26+$0xFFFFFEE0]  }
0xf8: {  	v14 =	vld [tilespmem:s26+$0xFFFFFEF0]  }
0xf9: {  	v15 =	vld [tilespmem:s26+$0xFFFFFF00]  }
0xfa: {  	v0 =	vld.idx.msk [tilespmem:v0+s16+$0x0], $0xffff  }
0xfb: {  	v1 =	vld.idx.msk [tilespmem:v1+s16+$0x0], $0xffff  }
0xfc: {  	v2 =	vld.idx.msk [tilespmem:v2+s16+$0x0], $0xffff  }
0xfd: {  	v3 =	vld.idx.msk [tilespmem:v3+s16+$0x0], $0xffff  }
0xfe: {  	v4 =	vld.idx.msk [tilespmem:v4+s16+$0x0], $0xffff  }
0xff: {  	v5 =	vld.idx.msk [tilespmem:v5+s16+$0x0], $0xffff  }
0x100: {  	v6 =	vld.idx.msk [tilespmem:v6+s16+$0x0], $0xffff  }
0x101: {  	v7 =	vld.idx.msk [tilespmem:v7+s16+$0x0], $0xffff  }
0x102: {  	v8 =	vld.idx.msk [tilespmem:v8+s16+$0x0], $0xffff  }
0x103: {  	v9 =	vld.idx.msk [tilespmem:v9+s16+$0x0], $0xffff  }
0x104: {  	v10 =	vld.idx.msk [tilespmem:v10+s16+$0x0], $0xffff  }
0x105: {  	v11 =	vld.idx.msk [tilespmem:v11+s16+$0x0], $0xffff  }
0x106: {  	v12 =	vld.idx.msk [tilespmem:v12+s16+$0x0], $0xffff  }
0x107: {  	v13 =	vld.idx.msk [tilespmem:v13+s16+$0x0], $0xffff  }
0x108: {  	v14 =	vld.idx.msk [tilespmem:v14+s16+$0x0], $0xffff  }
0x109: {  	v15 =	vld.idx.msk [tilespmem:v15+s16+$0x0], $0xffff;
	[tilespmem:s28+$0xFFFFFF00] =	vst v0  }
0x10a: {  	[tilespmem:s28+$0xFFFFFF10] =	vst v1  }
0x10b: {  	[tilespmem:s28+$0xFFFFFF20] =	vst v2  }
0x10c: {  	[tilespmem:s28+$0xFFFFFF30] =	vst v3  }
0x10d: {  	[tilespmem:s28+$0xFFFFFF40] =	vst v4  }
0x10e: {  	[tilespmem:s28+$0xFFFFFF50] =	vst v5  }
0x10f: {  	[tilespmem:s28+$0xFFFFFF60] =	vst v6  }
0x110: {  	[tilespmem:s28+$0xFFFFFF70] =	vst v7  }
0x111: {  	[tilespmem:s28+$0xFFFFFF80] =	vst v8  }
0x112: {  	[tilespmem:s28+$0xFFFFFF90] =	vst v9  }
0x113: {  	[tilespmem:s28+$0xFFFFFFA0] =	vst v10  }
0x114: {  	[tilespmem:s28+$0xFFFFFFB0] =	vst v11  }
0x115: {  	[tilespmem:s28+$0xFFFFFFC0] =	vst v12  }
0x116: {  	[tilespmem:s28+$0xFFFFFFD0] =	vst v13  }
0x117: {  	[tilespmem:s28+$0xFFFFFFE0] =	vst v14  }
0x118: {  	[tilespmem:s28+$0xFFFFFFF0] =	vst v15  }
0x119: {  	v0 =	vld [tilespmem:s26+$0xFFFFFF10]  }
0x11a: {  	v1 =	vld [tilespmem:s26+$0xFFFFFF20]  }
0x11b: {  	v2 =	vld [tilespmem:s26+$0xFFFFFF30]  }
0x11c: {  	v3 =	vld [tilespmem:s26+$0xFFFFFF40]  }
0x11d: {  	v4 =	vld [tilespmem:s26+$0xFFFFFF50]  }
0x11e: {  	v5 =	vld [tilespmem:s26+$0xFFFFFF60]  }
0x11f: {  	v6 =	vld [tilespmem:s26+$0xFFFFFF70]  }
0x120: {  	v7 =	vld [tilespmem:s26+$0xFFFFFF80]  }
0x121: {  	v8 =	vld [tilespmem:s26+$0xFFFFFF90]  }
0x122: {  	v9 =	vld [tilespmem:s26+$0xFFFFFFA0]  }
0x123: {  	v10 =	vld [tilespmem:s26+$0xFFFFFFB0]  }
0x124: {  	v11 =	vld [tilespmem:s26+$0xFFFFFFC0]  }
0x125: {  	v12 =	vld [tilespmem:s26+$0xFFFFFFD0]  }
0x126: {  	v13 =	vld [tilespmem:s26+$0xFFFFFFE0]  }
0x127: {  	v14 =	vld [tilespmem:s26+$0xFFFFFFF0]  }
0x128: {  	v15 =	vld [tilespmem:s26+$0x0]  }
0x129: {  	v0 =	vld.idx.msk [tilespmem:v0+s16+$0x0], $0xffff  }
0x12a: {  	v1 =	vld.idx.msk [tilespmem:v1+s16+$0x0], $0xffff  }
0x12b: {  	v2 =	vld.idx.msk [tilespmem:v2+s16+$0x0], $0xffff  }
0x12c: {  	v3 =	vld.idx.msk [tilespmem:v3+s16+$0x0], $0xffff  }
0x12d: {  	v4 =	vld.idx.msk [tilespmem:v4+s16+$0x0], $0xffff  }
0x12e: {  	v5 =	vld.idx.msk [tilespmem:v5+s16+$0x0], $0xffff  }
0x12f: {  	v6 =	vld.idx.msk [tilespmem:v6+s16+$0x0], $0xffff  }
0x130: {  	v7 =	vld.idx.msk [tilespmem:v7+s16+$0x0], $0xffff  }
0x131: {  	v8 =	vld.idx.msk [tilespmem:v8+s16+$0x0], $0xffff  }
0x132: {  	v9 =	vld.idx.msk [tilespmem:v9+s16+$0x0], $0xffff  }
0x133: {  	v10 =	vld.idx.msk [tilespmem:v10+s16+$0x0], $0xffff  }
0x134: {  	v11 =	vld.idx.msk [tilespmem:v11+s16+$0x0], $0xffff  }
0x135: {  	v12 =	vld.idx.msk [tilespmem:v12+s16+$0x0], $0xffff  }
0x136: {  	v13 =	vld.idx.msk [tilespmem:v13+s16+$0x0], $0xffff  }
0x137: {  	v14 =	vld.idx.msk [tilespmem:v14+s16+$0x0], $0xffff  }
0x138: {  	v15 =	vld.idx.msk [tilespmem:v15+s16+$0x0], $0xffff;
	[tilespmem:s28+$0x0] =	vst v0  }
0x139: {  	[tilespmem:s28+$0x10] =	vst v1  }
0x13a: {  	[tilespmem:s28+$0x20] =	vst v2  }
0x13b: {  	[tilespmem:s28+$0x30] =	vst v3  }
0x13c: {  	[tilespmem:s28+$0x40] =	vst v4  }
0x13d: {  	[tilespmem:s28+$0x50] =	vst v5  }
0x13e: {  	[tilespmem:s28+$0x60] =	vst v6  }
0x13f: {  	[tilespmem:s28+$0x70] =	vst v7  }
0x140: {  	[tilespmem:s28+$0x80] =	vst v8  }
0x141: {  	s25 =	sadd.s32 $0x2, s25;
	[tilespmem:s28+$0x90] =	vst v9  }
0x142: {  	p0 =	slt.u32 s25, $0xE;
	[tilespmem:s28+$0xA0] =	vst v10  }
.Ltmp2:
0x143: {  	[tilespmem:s28+$0xB0] =	vst v11;
	(pc) =	sbr.rel @p0 .LBB2_7-.Ltmp2, $4  }
0x144: {  	[tilespmem:s28+$0xC0] =	vst v12  }
0x145: {  	[tilespmem:s28+$0xD0] =	vst v13  }
0x146: {  	[tilespmem:s28+$0xE0] =	vst v14  }
0x147: {  	s26 =	sadd.s32 $0x200, s26;
	[tilespmem:s28+$0xF0] =	vst v15;
	s28 =	sadd.s32 $0x200, s28  }
0x148: {  	s25 =	sadd.s32 s24, s11  }
0x149: {  	[hbm4b:s25+s14] =	stream.strided.scatter [tilespmem:s19], [sflag:$0x3], $0x1000, s15, s14, $0x38;
	[tilespmem:$0x1E700] =	vst v63  }
0x14a: {  	_ =	swait.ge [sflag:s21], $0x1000  }
0x14b: {  	s26 =	simm.s32 $0x31F0;
	[sflag:s21] =	ssyncset.done $0x0  }
0x14c: {  	s28 =	simm.s32 $0x1D800;
	s25 =	simm.s32 $0xFFFFFFFE;
	[sflag:s21] =	ssyncadd.s32 $0xFFFFF000  }
.LBB2_9:
0x14d: {  	v0 =	vld [tilespmem:s26+$0xFFFFFE10]  }
0x14e: {  	v1 =	vld [tilespmem:s26+$0xFFFFFE20]  }
0x14f: {  	v2 =	vld [tilespmem:s26+$0xFFFFFE30]  }
0x150: {  	v3 =	vld [tilespmem:s26+$0xFFFFFE40]  }
0x151: {  	v4 =	vld [tilespmem:s26+$0xFFFFFE50]  }
0x152: {  	v5 =	vld [tilespmem:s26+$0xFFFFFE60]  }
0x153: {  	v6 =	vld [tilespmem:s26+$0xFFFFFE70]  }
0x154: {  	v7 =	vld [tilespmem:s26+$0xFFFFFE80]  }
0x155: {  	v8 =	vld [tilespmem:s26+$0xFFFFFE90]  }
0x156: {  	v9 =	vld [tilespmem:s26+$0xFFFFFEA0]  }
0x157: {  	v10 =	vld [tilespmem:s26+$0xFFFFFEB0]  }
0x158: {  	v11 =	vld [tilespmem:s26+$0xFFFFFEC0]  }
0x159: {  	v12 =	vld [tilespmem:s26+$0xFFFFFED0]  }
0x15a: {  	v13 =	vld [tilespmem:s26+$0xFFFFFEE0]  }
0x15b: {  	v14 =	vld [tilespmem:s26+$0xFFFFFEF0]  }
0x15c: {  	v15 =	vld [tilespmem:s26+$0xFFFFFF00]  }
0x15d: {  	v0 =	vld.idx.msk [tilespmem:v0+s16+$0x0], $0xffff  }
0x15e: {  	v1 =	vld.idx.msk [tilespmem:v1+s16+$0x0], $0xffff  }
0x15f: {  	v2 =	vld.idx.msk [tilespmem:v2+s16+$0x0], $0xffff  }
0x160: {  	v3 =	vld.idx.msk [tilespmem:v3+s16+$0x0], $0xffff  }
0x161: {  	v4 =	vld.idx.msk [tilespmem:v4+s16+$0x0], $0xffff  }
0x162: {  	v5 =	vld.idx.msk [tilespmem:v5+s16+$0x0], $0xffff  }
0x163: {  	v6 =	vld.idx.msk [tilespmem:v6+s16+$0x0], $0xffff  }
0x164: {  	v7 =	vld.idx.msk [tilespmem:v7+s16+$0x0], $0xffff  }
0x165: {  	v8 =	vld.idx.msk [tilespmem:v8+s16+$0x0], $0xffff  }
0x166: {  	v9 =	vld.idx.msk [tilespmem:v9+s16+$0x0], $0xffff  }
0x167: {  	v10 =	vld.idx.msk [tilespmem:v10+s16+$0x0], $0xffff  }
0x168: {  	v11 =	vld.idx.msk [tilespmem:v11+s16+$0x0], $0xffff  }
0x169: {  	v12 =	vld.idx.msk [tilespmem:v12+s16+$0x0], $0xffff  }
0x16a: {  	v13 =	vld.idx.msk [tilespmem:v13+s16+$0x0], $0xffff  }
0x16b: {  	v14 =	vld.idx.msk [tilespmem:v14+s16+$0x0], $0xffff  }
0x16c: {  	v15 =	vld.idx.msk [tilespmem:v15+s16+$0x0], $0xffff;
	[tilespmem:s28+$0xFFFFFF00] =	vst v0  }
0x16d: {  	[tilespmem:s28+$0xFFFFFF10] =	vst v1  }
0x16e: {  	[tilespmem:s28+$0xFFFFFF20] =	vst v2  }
0x16f: {  	[tilespmem:s28+$0xFFFFFF30] =	vst v3  }
0x170: {  	[tilespmem:s28+$0xFFFFFF40] =	vst v4  }
0x171: {  	[tilespmem:s28+$0xFFFFFF50] =	vst v5  }
0x172: {  	[tilespmem:s28+$0xFFFFFF60] =	vst v6  }
0x173: {  	[tilespmem:s28+$0xFFFFFF70] =	vst v7  }
0x174: {  	[tilespmem:s28+$0xFFFFFF80] =	vst v8  }
0x175: {  	[tilespmem:s28+$0xFFFFFF90] =	vst v9  }
0x176: {  	[tilespmem:s28+$0xFFFFFFA0] =	vst v10  }
0x177: {  	[tilespmem:s28+$0xFFFFFFB0] =	vst v11  }
0x178: {  	[tilespmem:s28+$0xFFFFFFC0] =	vst v12  }
0x179: {  	[tilespmem:s28+$0xFFFFFFD0] =	vst v13  }
0x17a: {  	[tilespmem:s28+$0xFFFFFFE0] =	vst v14  }
0x17b: {  	[tilespmem:s28+$0xFFFFFFF0] =	vst v15  }
0x17c: {  	v0 =	vld [tilespmem:s26+$0xFFFFFF10]  }
0x17d: {  	v1 =	vld [tilespmem:s26+$0xFFFFFF20]  }
0x17e: {  	v2 =	vld [tilespmem:s26+$0xFFFFFF30]  }
0x17f: {  	v3 =	vld [tilespmem:s26+$0xFFFFFF40]  }
0x180: {  	v4 =	vld [tilespmem:s26+$0xFFFFFF50]  }
0x181: {  	v5 =	vld [tilespmem:s26+$0xFFFFFF60]  }
0x182: {  	v6 =	vld [tilespmem:s26+$0xFFFFFF70]  }
0x183: {  	v7 =	vld [tilespmem:s26+$0xFFFFFF80]  }
0x184: {  	v8 =	vld [tilespmem:s26+$0xFFFFFF90]  }
0x185: {  	v9 =	vld [tilespmem:s26+$0xFFFFFFA0]  }
0x186: {  	v10 =	vld [tilespmem:s26+$0xFFFFFFB0]  }
0x187: {  	v11 =	vld [tilespmem:s26+$0xFFFFFFC0]  }
0x188: {  	v12 =	vld [tilespmem:s26+$0xFFFFFFD0]  }
0x189: {  	v13 =	vld [tilespmem:s26+$0xFFFFFFE0]  }
0x18a: {  	v14 =	vld [tilespmem:s26+$0xFFFFFFF0]  }
0x18b: {  	v15 =	vld [tilespmem:s26+$0x0]  }
0x18c: {  	v0 =	vld.idx.msk [tilespmem:v0+s16+$0x0], $0xffff  }
0x18d: {  	v1 =	vld.idx.msk [tilespmem:v1+s16+$0x0], $0xffff  }
0x18e: {  	v2 =	vld.idx.msk [tilespmem:v2+s16+$0x0], $0xffff  }
0x18f: {  	v3 =	vld.idx.msk [tilespmem:v3+s16+$0x0], $0xffff  }
0x190: {  	v4 =	vld.idx.msk [tilespmem:v4+s16+$0x0], $0xffff  }
0x191: {  	v5 =	vld.idx.msk [tilespmem:v5+s16+$0x0], $0xffff  }
0x192: {  	v6 =	vld.idx.msk [tilespmem:v6+s16+$0x0], $0xffff  }
0x193: {  	v7 =	vld.idx.msk [tilespmem:v7+s16+$0x0], $0xffff  }
0x194: {  	v8 =	vld.idx.msk [tilespmem:v8+s16+$0x0], $0xffff  }
0x195: {  	v9 =	vld.idx.msk [tilespmem:v9+s16+$0x0], $0xffff  }
0x196: {  	v10 =	vld.idx.msk [tilespmem:v10+s16+$0x0], $0xffff  }
0x197: {  	v11 =	vld.idx.msk [tilespmem:v11+s16+$0x0], $0xffff  }
0x198: {  	v12 =	vld.idx.msk [tilespmem:v12+s16+$0x0], $0xffff  }
0x199: {  	v13 =	vld.idx.msk [tilespmem:v13+s16+$0x0], $0xffff  }
0x19a: {  	v14 =	vld.idx.msk [tilespmem:v14+s16+$0x0], $0xffff  }
0x19b: {  	v15 =	vld.idx.msk [tilespmem:v15+s16+$0x0], $0xffff;
	[tilespmem:s28+$0x0] =	vst v0  }
0x19c: {  	[tilespmem:s28+$0x10] =	vst v1  }
0x19d: {  	[tilespmem:s28+$0x20] =	vst v2  }
0x19e: {  	[tilespmem:s28+$0x30] =	vst v3  }
0x19f: {  	[tilespmem:s28+$0x40] =	vst v4  }
0x1a0: {  	[tilespmem:s28+$0x50] =	vst v5  }
0x1a1: {  	[tilespmem:s28+$0x60] =	vst v6  }
0x1a2: {  	[tilespmem:s28+$0x70] =	vst v7  }
0x1a3: {  	[tilespmem:s28+$0x80] =	vst v8  }
0x1a4: {  	s25 =	sadd.s32 $0x2, s25;
	[tilespmem:s28+$0x90] =	vst v9  }
0x1a5: {  	p0 =	slt.u32 s25, $0xE;
	[tilespmem:s28+$0xA0] =	vst v10  }
.Ltmp3:
0x1a6: {  	[tilespmem:s28+$0xB0] =	vst v11;
	(pc) =	sbr.rel @p0 .LBB2_9-.Ltmp3, $4  }
0x1a7: {  	[tilespmem:s28+$0xC0] =	vst v12  }
0x1a8: {  	[tilespmem:s28+$0xD0] =	vst v13  }
0x1a9: {  	[tilespmem:s28+$0xE0] =	vst v14  }
0x1aa: {  	s26 =	sadd.s32 $0x200, s26;
	[tilespmem:s28+$0xF0] =	vst v15;
	s28 =	sadd.s32 $0x200, s28  }
0x1ab: {  	s24 =	sadd.s32 s24, s12;
	s23 =	sadd.s32 $0x1, s23  }
0x1ac: {  	[hbm4b:s24+s14] =	stream.strided.scatter [tilespmem:s20], [sflag:$0x3], $0x1000, s15, s14, $0x38;
	[tilespmem:$0x1E700] =	vst v63  }
0x1ad: {  	p0 =	sne.s32 s23, $0x1A;
	_ =	swait.ge [sflag:s21], $0x1000  }
.Ltmp4:
0x1ae: {  	[sflag:s21] =	ssyncset.done $0x0;
	(pc) =	sbr.rel @p0 .LBB2_2-.Ltmp4, $4  }
0x1af: {  	[sflag:s21] =	ssyncadd.s32 $0xFFFFF000  }
0x1b0: {  	_ =	swait.ge [sflag:s21], $0x1000  }
0x1b1: {  	[sflag:s21] =	ssyncset.done $0x0  }
0x1b2: {  	[sflag:s21] =	ssyncadd.s32 $0xFFFFF000  }
0x1b3: {  	s22 =	sadd.s32 $0x1, s22  }
0x1b4: {  	p0 =	sne.s32 s22, s13  }
.Ltmp5:
0x1b5: {  	_ = 	snop;
	(pc) =	sbr.rel @p0 .LBB2_1-.Ltmp5, $1  }
0x1b6: {  	_ =	sdelay $0x3  }
0x1b7: {  	_ =	sfence.sel $0x180000  }
0x1b8: {  	[bflag:$0x0] =	sbarrier.arrive $0xFFFF  }
0x1b9: {  	p0 =	sne.s32 s3, $0x0;
	_ =	strace $0x90000047  }
0x1ba: {  	s0 =	sadd.s32 @!p0 $0x100000, s0;
	[bflag:$0x2] =	sbarrier.arrive $0xFFFF  }
0x1bb: {  	[sflag:s0] =	ssyncadd.tile.s32 @!p0 $0x1;
	_ =	shalt  }
.Lfunc_end2:
_tile_overlayer_lowered:
.L_overlay_start_2:
0x1bc: {  	(tag) =	ssettag $0x2  }
0x1bd: {  	s0 =	rddreg [dreg:$0x0];
	s2 =	stileid.u32  }
0x1be: {  	s1 =	rddreg [dreg:$0x1];
	p0 =	sne.s32 s2, $0x0  }
0x1bf: {  	s3 =	rddreg [dreg:$0x2];
	[bflag:$0x3] =	sbarrier.arrive $0xFFFF;
	s2 =	simm.s32 @!p0 $0x1C04  }
0x1c0: {  	[timem:s3], [sflag:s2] =	dma.local @!p0 [hbm:s0], s1  }
0x1c1: {  	s0 =	simm.s32 @!p0 $0x4  }
0x1c2: {  	_ =	swait.ge @!p0 [sflag:s0], s1  }
0x1c3: {  	s1 =	ssub.s32 @!p0 $0x0, s1;
	[sflag:s0] =	ssyncset.done @!p0 $0x0  }
0x1c4: {  	[sflag:s0] =	ssyncadd.s32 @!p0 s1  }
0x1c5: {  	[bflag:$0x3] =	sbarrier.arrive $0xFFFF  }
0x1c6: {  	_ =	shalt  }

</sc_bundles>
